<compile_context>
chip_gen: v7x
topology: tpu7x:2x2x1
jax: 0.10.2.dev20260603
libtpu: 0.0.44.dev20260713+nightly
codegen_flags: <defaults>
</compile_context>

<pallas_src>
import jax
import jax.numpy as jnp
from jax.experimental import pallas as pl
from jax.experimental.pallas import tpu as pltpu
from jax.experimental.pallas import tpu_sc as plsc

_LANES = 16


def kernel(x):
    n, r, c = x.shape
    BR = 32
    jb = r // BR
    x2 = x.reshape(n * r, c)

    mesh = plsc.VectorSubcoreMesh(core_axis_name="core", subcore_axis_name="subcore")

    @pl.kernel(out_type=jax.ShapeDtypeStruct((n * r, c), x.dtype), mesh=mesh)
    def sc_reverse(x_hbm, o_hbm):
        def body(in_vmem, out_vmem):
            @pl.loop(0, BR)
            def _(c0):
                @pl.loop(0, c, step=_LANES, unroll=True)
                def _(c1):
                    slc = (pl.ds(c0, 1), pl.ds(c1, _LANES))
                    out_vmem.at[*slc][...] = in_vmem.at[*slc][...]

        pltpu.emit_pipeline(
            body,
            grid=(n, jb),
            in_specs=[pl.BlockSpec((BR, c), lambda i, j: ((n - 1 - i) * jb + j, 0))],
            out_specs=[pl.BlockSpec((BR, c), lambda i, j: (i * jb + j, 0))],
            core_axis_name=("core", "subcore"),
            dimension_semantics=(pltpu.PARALLEL, pltpu.PARALLEL),
        )(x_hbm, o_hbm)

    return sc_reverse(x2).reshape(n, r, c)

# --- scband reference (transcript-rebuilt; emitter-appended) ---
"""Pipeline reference for scband-permute-assessments-6854767805175 (READ-ONLY COPY).

The authoritative reference and input builder live on the scoring server;
editing this copy changes nothing except your own understanding.
"""

import jax, jax.numpy as jnp
import numpy as np

ORIGINAL_ORDER = "abcdefgh"
TARGET_ORDER = "hgfedcba"


def setup_inputs(seed: int = 0) -> dict:
    key = jax.random.key(seed)
    x = jax.random.normal(key, (8, 2048, 1024), dtype=jnp.float32)
    return {"x": x}


def reference(x):
    # indices[i] = position in original_order of the i-th char of target_order
    indices = jnp.array([ORIGINAL_ORDER.index(c) for c in TARGET_ORDER], dtype=jnp.int32)
    # x.data = x.data[indices]  -> gather along dim 0
    return jnp.take(x, indices, axis=0)

if __name__ == "__main__":
    import jax
    _d = setup_inputs()
    print(jax.jit(kernel)(*tuple(_d.values())))

</pallas_src>

<mosaic_0001>
#map = affine_map<(d0, d1) -> (0, 0)>
module attributes {stable_mosaic.version = 14 : i64} {
  func.func @sc_reverse(%arg0: i32, %arg1: i32, %arg2: memref<16384x1024xf32, #tpu.memory_space<hbm>>, %arg3: memref<16384x1024xf32, #tpu.memory_space<hbm>>) attributes {dimension_semantics = [#tpu.dimension_semantics<core_parallel>, #tpu.dimension_semantics<subcore_parallel>], iteration_bounds = array<i64: 2, 16>, scalar_prefetch = 0 : i64, scratch_operands = 0 : i64, tpu.core_type = #tpu.core_type<sc_vector_subcore>, window_params = [{transform_indices = #map}, {transform_indices = #map}]} {
    %mul3A = arith.constant 1 : i32
    %mul3A_0 = arith.muli %arg1, %mul3A : i32
    %add3A = arith.constant 0 : i32
    %add3A_1 = arith.addi %add3A, %mul3A_0 : i32
    %mul3A_2 = arith.constant 16 : i32
    %mul3A_3 = arith.muli %arg0, %mul3A_2 : i32
    %add3A_4 = arith.addi %add3A_1, %mul3A_3 : i32
    %mul3A_5 = arith.constant 2 : i32
    %mul3A_6 = arith.muli %add3A_4, %mul3A_5 : i32
    "tpu.region"() ({
      %run_scoped3A = memref.alloca() : memref<2x32x1024xf32, #tpu.memory_space<vmem>>
      %run_scoped3A_7 = tpu.sem_alloc : memref<2x!tpu.dma_semaphore, #tpu.memory_space<semaphore_mem>>
      %run_scoped3A_8 = memref.alloca() : memref<2x32x1024xf32, #tpu.memory_space<vmem>>
      %run_scoped3A_9 = tpu.sem_alloc : memref<2x!tpu.dma_semaphore, #tpu.memory_space<semaphore_mem>>
      %add3A_10 = arith.constant 0 : i32
      %add3A_11 = arith.addi %add3A_10, %mul3A_6 : i32
      %select_n3A = arith.constant true
      %select_n3A_12 = arith.constant 0 : i32
      %select_n3A_13 = arith.constant -1 : i32
      %select_n3A_14 = arith.select %select_n3A, %select_n3A_13, %select_n3A_12 : i32
      %eq3A = arith.constant -1 : i32
      %eq3A_15 = arith.cmpi eq, %select_n3A_14, %eq3A : i32
      %select_n3A_16 = arith.constant 1 : i32
      %select_n3A_17 = arith.select %eq3A_15, %select_n3A_16, %select_n3A_14 : i32
      %select_n3A_18 = arith.constant 0 : i32
      %select_n3A_19 = arith.constant -1 : i32
      %select_n3A_20 = arith.select %eq3A_15, %select_n3A_19, %select_n3A_18 : i32
      %eq3A_21 = arith.constant -1 : i32
      %eq3A_22 = arith.cmpi eq, %select_n3A_20, %eq3A_21 : i32
      %select_n3A_23 = arith.constant 7 : i32
      %select_n3A_24 = arith.select %eq3A_22, %select_n3A_23, %select_n3A_20 : i32
      %add3A_25 = arith.constant 0 : i32
      %add3A_26 = arith.addi %select_n3A_24, %add3A_25 : i32
      %add3A_27 = arith.addi %select_n3A_17, %mul3A_6 : i32
      %select_n3A_28 = arith.constant true
      %select_n3A_29 = arith.constant 0 : i32
      %select_n3A_30 = arith.constant 1 : i32
      %select_n3A_31 = arith.select %select_n3A_28, %select_n3A_30, %select_n3A_29 : i32
      %eq3A_32 = arith.constant 2 : i32
      %eq3A_33 = arith.cmpi eq, %select_n3A_31, %eq3A_32 : i32
      %select_n3A_34 = arith.constant 0 : i32
      %select_n3A_35 = arith.select %eq3A_33, %select_n3A_34, %select_n3A_31 : i32
      %select_n3A_36 = arith.constant 0 : i32
      %select_n3A_37 = arith.constant 1 : i32
      %select_n3A_38 = arith.select %eq3A_33, %select_n3A_37, %select_n3A_36 : i32
      %eq3A_39 = arith.constant 8 : i32
      %eq3A_40 = arith.cmpi eq, %select_n3A_38, %eq3A_39 : i32
      %select_n3A_41 = arith.constant 0 : i32
      %select_n3A_42 = arith.select %eq3A_40, %select_n3A_41, %select_n3A_38 : i32
      %add3A_43 = arith.constant 0 : i32
      %add3A_44 = arith.addi %select_n3A_42, %add3A_43 : i32
      %add3A_45 = arith.addi %select_n3A_35, %mul3A_6 : i32
      %add3A_46 = arith.constant 1 : i32
      %add3A_47 = arith.addi %select_n3A_35, %add3A_46 : i32
      %select_n3A_48 = arith.constant true
      %select_n3A_49 = arith.select %select_n3A_48, %add3A_47, %select_n3A_35 : i32
      %eq3A_50 = arith.constant 2 : i32
      %eq3A_51 = arith.cmpi eq, %select_n3A_49, %eq3A_50 : i32
      %select_n3A_52 = arith.constant 0 : i32
      %select_n3A_53 = arith.select %eq3A_51, %select_n3A_52, %select_n3A_49 : i32
      %add3A_54 = arith.constant 1 : i32
      %add3A_55 = arith.addi %select_n3A_42, %add3A_54 : i32
      %select_n3A_56 = arith.select %eq3A_51, %add3A_55, %select_n3A_42 : i32
      %eq3A_57 = arith.constant 8 : i32
      %eq3A_58 = arith.cmpi eq, %select_n3A_56, %eq3A_57 : i32
      %select_n3A_59 = arith.constant 0 : i32
      %select_n3A_60 = arith.select %eq3A_58, %select_n3A_59, %select_n3A_56 : i32
      %add3A_61 = arith.constant 0 : i32
      %add3A_62 = arith.addi %select_n3A_60, %add3A_61 : i32
      %add3A_63 = arith.addi %select_n3A_53, %mul3A_6 : i32
      "tpu.trace_start"() <{level = 10 : i32, message = "ep_initialize_0"}> : () -> ()
      %rem3A = arith.constant 0 : i32
      %rem3A_64 = arith.constant 2 : i32
      %rem3A_65 = arith.remui %rem3A, %rem3A_64 : i32
      %add3A_66 = arith.constant 448 : i32
      %add3A_67 = arith.addi %add3A_66, %add3A_11 : i32
      %mul3A_68 = arith.constant 32 : i32
      %mul3A_69 = arith.muli %mul3A_68, %add3A_67 : i32
      %dma_start3A = arith.constant 0 : i32
      %dma_start3A_70 = arith.constant 0 : i32
      %dma_start3A_71 = tpu.memref_slice %run_scoped3A[%rem3A_65, %dma_start3A, %dma_start3A_70] : memref<2x32x1024xf32, #tpu.memory_space<vmem>> -> memref<1x32x1024xf32, #tpu.memory_space<vmem>>
      %dma_start3A_72 = tpu.memref_squeeze %dma_start3A_71 : memref<1x32x1024xf32, #tpu.memory_space<vmem>> -> memref<32x1024xf32, #tpu.memory_space<vmem>>
      %dma_start3A_73 = arith.constant 0 : i32
      %dma_start3A_74 = tpu.memref_slice %arg2[%mul3A_69, %dma_start3A_73] : memref<16384x1024xf32, #tpu.memory_space<hbm>> -> memref<32x1024xf32, #tpu.memory_space<hbm>>
      %dma_start3A_75 = tpu.memref_slice %run_scoped3A_7[%rem3A_65] : memref<2x!tpu.dma_semaphore, #tpu.memory_space<semaphore_mem>> -> memref<1x!tpu.dma_semaphore, #tpu.memory_space<semaphore_mem>>
      %dma_start3A_76 = tpu.memref_squeeze %dma_start3A_75 : memref<1x!tpu.dma_semaphore, #tpu.memory_space<semaphore_mem>> -> memref<!tpu.dma_semaphore, #tpu.memory_space<semaphore_mem>>
      %dma_start3A_77 = arith.constant 0 : i32
      %dma_start3A_78 = arith.constant 0 : i32
      %dma_start3A_79 = tpu.memref_slice %run_scoped3A[%rem3A_65, %dma_start3A_77, %dma_start3A_78] : memref<2x32x1024xf32, #tpu.memory_space<vmem>> -> memref<1x32x1024xf32, #tpu.memory_space<vmem>>
      %dma_start3A_80 = tpu.memref_squeeze %dma_start3A_79 : memref<1x32x1024xf32, #tpu.memory_space<vmem>> -> memref<32x1024xf32, #tpu.memory_space<vmem>>
      %dma_start3A_81 = arith.constant 0 : i32
      %dma_start3A_82 = tpu.memref_slice %arg2[%mul3A_69, %dma_start3A_81] : memref<16384x1024xf32, #tpu.memory_space<hbm>> -> memref<32x1024xf32, #tpu.memory_space<hbm>>
      tpu.enqueue_dma source(%dma_start3A_82 : memref<32x1024xf32, #tpu.memory_space<hbm>>) target(%dma_start3A_80 : memref<32x1024xf32, #tpu.memory_space<vmem>>) target_semaphore(%dma_start3A_76 : memref<!tpu.dma_semaphore, #tpu.memory_space<semaphore_mem>>)
      %add3A_83 = arith.constant 0 : i32
      %add3A_84 = arith.constant 1 : i32
      %add3A_85 = arith.addi %add3A_83, %add3A_84 : i32
      %select_n3A_86 = arith.constant true
      %select_n3A_87 = arith.constant 0 : i32
      %select_n3A_88 = arith.select %select_n3A_86, %add3A_85, %select_n3A_87 : i32
      "tpu.trace_stop"() : () -> ()
      %scan3A = arith.constant 0 : i32
      %scan3A_89 = arith.constant 0 : i32
      %scan3A_90 = arith.constant 0 : i32
      %scan3A_91 = arith.constant 0 : i32
      %scan3A_92 = arith.constant 0 : i32
      %scan3A_93 = arith.constant 0 : i32
      %scan3A_94 = arith.constant 16 : i32
      %scan3A_95 = arith.addi %scan3A_93, %scan3A_94 : i32
      %scan3A_96 = arith.constant 1 : i32
      %scan3A_97:6 = scf.for %scan3A_190 = %scan3A_93 to %scan3A_95 step %scan3A_96 iter_args(%scan3A_191 = %select_n3A_88, %scan3A_192 = %scan3A, %scan3A_193 = %scan3A_89, %scan3A_194 = %scan3A_90, %scan3A_195 = %scan3A_91, %scan3A_196 = %scan3A_92) -> (i32, i32, i32, i32, i32, i32)  : i32 {
        %eq3A_197 = arith.constant 0 : i32
        %eq3A_198 = arith.cmpi eq, %scan3A_190, %eq3A_197 : i32
        %eq3A_199 = arith.constant 15 : i32
        %eq3A_200 = arith.cmpi eq, %scan3A_190, %eq3A_199 : i32
        %add3A_201 = arith.constant 0 : i32
        %add3A_202 = arith.addi %scan3A_195, %add3A_201 : i32
        %add3A_203 = arith.addi %scan3A_196, %mul3A_6 : i32
        %sub3A_204 = arith.constant 1 : i32
        %sub3A_205 = arith.subi %scan3A_196, %sub3A_204 : i32
        %select_n3A_206 = arith.constant true
        %select_n3A_207 = arith.select %select_n3A_206, %sub3A_205, %scan3A_196 : i32
        %eq3A_208 = arith.constant -1 : i32
        %eq3A_209 = arith.cmpi eq, %select_n3A_207, %eq3A_208 : i32
        %select_n3A_210 = arith.constant 1 : i32
        %select_n3A_211 = arith.select %eq3A_209, %select_n3A_210, %select_n3A_207 : i32
        %sub3A_212 = arith.constant 1 : i32
        %sub3A_213 = arith.subi %scan3A_195, %sub3A_212 : i32
        %select_n3A_214 = arith.select %eq3A_209, %sub3A_213, %scan3A_195 : i32
        %eq3A_215 = arith.constant -1 : i32
        %eq3A_216 = arith.cmpi eq, %select_n3A_214, %eq3A_215 : i32
        %select_n3A_217 = arith.constant 7 : i32
        %select_n3A_218 = arith.select %eq3A_216, %select_n3A_217, %select_n3A_214 : i32
        %add3A_219 = arith.constant 0 : i32
        %add3A_220 = arith.addi %select_n3A_218, %add3A_219 : i32
        %add3A_221 = arith.addi %select_n3A_211, %mul3A_6 : i32
        %add3A_222 = arith.constant 1 : i32
        %add3A_223 = arith.addi %scan3A_196, %add3A_222 : i32
        %select_n3A_224 = arith.constant true
        %select_n3A_225 = arith.select %select_n3A_224, %add3A_223, %scan3A_196 : i32
        %eq3A_226 = arith.constant 2 : i32
        %eq3A_227 = arith.cmpi eq, %select_n3A_225, %eq3A_226 : i32
        %select_n3A_228 = arith.constant 0 : i32
        %select_n3A_229 = arith.select %eq3A_227, %select_n3A_228, %select_n3A_225 : i32
        %add3A_230 = arith.constant 1 : i32
        %add3A_231 = arith.addi %scan3A_195, %add3A_230 : i32
        %select_n3A_232 = arith.select %eq3A_227, %add3A_231, %scan3A_195 : i32
        %eq3A_233 = arith.constant 8 : i32
        %eq3A_234 = arith.cmpi eq, %select_n3A_232, %eq3A_233 : i32
        %select_n3A_235 = arith.constant 0 : i32
        %select_n3A_236 = arith.select %eq3A_234, %select_n3A_235, %select_n3A_232 : i32
        %add3A_237 = arith.constant 0 : i32
        %add3A_238 = arith.addi %select_n3A_236, %add3A_237 : i32
        %add3A_239 = arith.addi %select_n3A_229, %mul3A_6 : i32
        %add3A_240 = arith.constant 1 : i32
        %add3A_241 = arith.addi %select_n3A_229, %add3A_240 : i32
        %select_n3A_242 = arith.constant true
        %select_n3A_243 = arith.select %select_n3A_242, %add3A_241, %select_n3A_229 : i32
        %eq3A_244 = arith.constant 2 : i32
        %eq3A_245 = arith.cmpi eq, %select_n3A_243, %eq3A_244 : i32
        %select_n3A_246 = arith.constant 0 : i32
        %select_n3A_247 = arith.select %eq3A_245, %select_n3A_246, %select_n3A_243 : i32
        %add3A_248 = arith.constant 1 : i32
        %add3A_249 = arith.addi %select_n3A_236, %add3A_248 : i32
        %select_n3A_250 = arith.select %eq3A_245, %add3A_249, %select_n3A_236 : i32
        %eq3A_251 = arith.constant 8 : i32
        %eq3A_252 = arith.cmpi eq, %select_n3A_250, %eq3A_251 : i32
        %select_n3A_253 = arith.constant 0 : i32
        %select_n3A_254 = arith.select %eq3A_252, %select_n3A_253, %select_n3A_250 : i32
        %add3A_255 = arith.constant 0 : i32
        %add3A_256 = arith.addi %select_n3A_254, %add3A_255 : i32
        %add3A_257 = arith.addi %select_n3A_247, %mul3A_6 : i32
        %sub3A_258 = arith.constant 7 : i32
        %sub3A_259 = arith.subi %sub3A_258, %add3A_202 : i32
        %mul3A_260 = arith.constant 64 : i32
        %mul3A_261 = arith.muli %sub3A_259, %mul3A_260 : i32
        %add3A_262 = arith.addi %mul3A_261, %add3A_203 : i32
        %sub3A_263 = arith.constant 7 : i32
        %sub3A_264 = arith.subi %sub3A_263, %add3A_238 : i32
        %mul3A_265 = arith.constant 64 : i32
        %mul3A_266 = arith.muli %sub3A_264, %mul3A_265 : i32
        %add3A_267 = arith.addi %mul3A_266, %add3A_239 : i32
        %ne3A = arith.cmpi ne, %add3A_262, %add3A_267 : i32
        %or3A = arith.constant false
        %or3A_268 = arith.ori %or3A, %ne3A : i1
        %or3A_269 = arith.constant false
        %or3A_270 = arith.ori %or3A_268, %or3A_269 : i1
        %ge3A = arith.constant 15 : i32
        %ge3A_271 = arith.cmpi sge, %scan3A_190, %ge3A : i32
        %not3A = arith.constant true
        %not3A_272 = arith.xori %ge3A_271, %not3A : i1
        %and3A = arith.andi %or3A_270, %not3A_272 : i1
        %convert_element_type3A = arith.extui %and3A : i1 to i32
        %cond3A = arith.constant 0 : i32
        %cond3A_273 = arith.cmpi ne, %convert_element_type3A, %cond3A : i32
        scf.if %cond3A_273 {
          "tpu.trace_start"() <{level = 10 : i32, message = "ep_copy_in"}> : () -> ()
          %rem3A_458 = arith.constant 2 : i32
          %rem3A_459 = arith.remui %scan3A_191, %rem3A_458 : i32
          %sub3A_460 = arith.constant 7 : i32
          %sub3A_461 = arith.subi %sub3A_460, %add3A_238 : i32
          %mul3A_462 = arith.constant 64 : i32
          %mul3A_463 = arith.muli %sub3A_461, %mul3A_462 : i32
          %add3A_464 = arith.addi %mul3A_463, %add3A_239 : i32
          %mul3A_465 = arith.constant 32 : i32
          %mul3A_466 = arith.muli %mul3A_465, %add3A_464 : i32
          %dma_start3A_467 = arith.constant 0 : i32
          %dma_start3A_468 = arith.constant 0 : i32
          %dma_start3A_469 = tpu.memref_slice %run_scoped3A[%rem3A_459, %dma_start3A_467, %dma_start3A_468] : memref<2x32x1024xf32, #tpu.memory_space<vmem>> -> memref<1x32x1024xf32, #tpu.memory_space<vmem>>
          %dma_start3A_470 = tpu.memref_squeeze %dma_start3A_469 : memref<1x32x1024xf32, #tpu.memory_space<vmem>> -> memref<32x1024xf32, #tpu.memory_space<vmem>>
          %dma_start3A_471 = arith.constant 0 : i32
          %dma_start3A_472 = tpu.memref_slice %arg2[%mul3A_466, %dma_start3A_471] : memref<16384x1024xf32, #tpu.memory_space<hbm>> -> memref<32x1024xf32, #tpu.memory_space<hbm>>
          %dma_start3A_473 = tpu.memref_slice %run_scoped3A_7[%rem3A_459] : memref<2x!tpu.dma_semaphore, #tpu.memory_space<semaphore_mem>> -> memref<1x!tpu.dma_semaphore, #tpu.memory_space<semaphore_mem>>
          %dma_start3A_474 = tpu.memref_squeeze %dma_start3A_473 : memref<1x!tpu.dma_semaphore, #tpu.memory_space<semaphore_mem>> -> memref<!tpu.dma_semaphore, #tpu.memory_space<semaphore_mem>>
          %dma_start3A_475 = arith.constant 0 : i32
          %dma_start3A_476 = arith.constant 0 : i32
          %dma_start3A_477 = tpu.memref_slice %run_scoped3A[%rem3A_459, %dma_start3A_475, %dma_start3A_476] : memref<2x32x1024xf32, #tpu.memory_space<vmem>> -> memref<1x32x1024xf32, #tpu.memory_space<vmem>>
          %dma_start3A_478 = tpu.memref_squeeze %dma_start3A_477 : memref<1x32x1024xf32, #tpu.memory_space<vmem>> -> memref<32x1024xf32, #tpu.memory_space<vmem>>
          %dma_start3A_479 = arith.constant 0 : i32
          %dma_start3A_480 = tpu.memref_slice %arg2[%mul3A_466, %dma_start3A_479] : memref<16384x1024xf32, #tpu.memory_space<hbm>> -> memref<32x1024xf32, #tpu.memory_space<hbm>>
          tpu.enqueue_dma source(%dma_start3A_480 : memref<32x1024xf32, #tpu.memory_space<hbm>>) target(%dma_start3A_478 : memref<32x1024xf32, #tpu.memory_space<vmem>>) target_semaphore(%dma_start3A_474 : memref<!tpu.dma_semaphore, #tpu.memory_space<semaphore_mem>>)
          "tpu.trace_stop"() : () -> ()
        } else {
        }
        %and3A_274 = arith.constant true
        %and3A_275 = arith.andi %and3A, %and3A_274 : i1
        %add3A_276 = arith.constant 1 : i32
        %add3A_277 = arith.addi %scan3A_191, %add3A_276 : i32
        %select_n3A_278 = arith.select %and3A_275, %add3A_277, %scan3A_191 : i32
        %mul3A_279 = arith.constant 64 : i32
        %mul3A_280 = arith.muli %add3A_202, %mul3A_279 : i32
        %add3A_281 = arith.addi %mul3A_280, %add3A_203 : i32
        %mul3A_282 = arith.constant 64 : i32
        %mul3A_283 = arith.muli %add3A_238, %mul3A_282 : i32
        %add3A_284 = arith.addi %mul3A_283, %add3A_239 : i32
        %ne3A_285 = arith.cmpi ne, %add3A_281, %add3A_284 : i32
        %or3A_286 = arith.constant false
        %or3A_287 = arith.ori %or3A_286, %ne3A_285 : i1
        %or3A_288 = arith.constant false
        %or3A_289 = arith.ori %or3A_287, %or3A_288 : i1
        %ge3A_290 = arith.constant 15 : i32
        %ge3A_291 = arith.cmpi sge, %scan3A_190, %ge3A_290 : i32
        %not3A_292 = arith.constant true
        %not3A_293 = arith.xori %ge3A_291, %not3A_292 : i1
        %and3A_294 = arith.andi %or3A_289, %not3A_293 : i1
        %sub3A_295 = arith.constant 7 : i32
        %sub3A_296 = arith.subi %sub3A_295, %add3A_202 : i32
        %mul3A_297 = arith.constant 64 : i32
        %mul3A_298 = arith.muli %sub3A_296, %mul3A_297 : i32
        %add3A_299 = arith.addi %mul3A_298, %add3A_203 : i32
        %sub3A_300 = arith.constant 7 : i32
        %sub3A_301 = arith.subi %sub3A_300, %add3A_220 : i32
        %mul3A_302 = arith.constant 64 : i32
        %mul3A_303 = arith.muli %sub3A_301, %mul3A_302 : i32
        %add3A_304 = arith.addi %mul3A_303, %add3A_221 : i32
        %ne3A_305 = arith.cmpi ne, %add3A_299, %add3A_304 : i32
        %or3A_306 = arith.constant false
        %or3A_307 = arith.ori %or3A_306, %ne3A_305 : i1
        %or3A_308 = arith.constant false
        %or3A_309 = arith.ori %or3A_307, %or3A_308 : i1
        %or3A_310 = arith.ori %or3A_309, %eq3A_198 : i1
        %convert_element_type3A_311 = arith.extui %or3A_310 : i1 to i32
        %cond3A_312 = arith.constant 0 : i32
        %cond3A_313 = arith.cmpi ne, %convert_element_type3A_311, %cond3A_312 : i32
        scf.if %cond3A_313 {
          "tpu.trace_start"() <{level = 10 : i32, message = "ep_wait_in"}> : () -> ()
          %sub3A_458 = arith.constant 7 : i32
          %sub3A_459 = arith.subi %sub3A_458, %add3A_202 : i32
          %mul3A_460 = arith.constant 64 : i32
          %mul3A_461 = arith.muli %sub3A_459, %mul3A_460 : i32
          %add3A_462 = arith.addi %mul3A_461, %add3A_203 : i32
          %mul3A_463 = arith.constant 32 : i32
          %mul3A_464 = arith.muli %mul3A_463, %add3A_462 : i32
          %rem3A_465 = arith.constant 2 : i32
          %rem3A_466 = arith.remui %scan3A_192, %rem3A_465 : i32
          %dma_wait3A_467 = arith.constant 0 : i32
          %dma_wait3A_468 = arith.constant 0 : i32
          %dma_wait3A_469 = tpu.memref_slice %run_scoped3A[%rem3A_466, %dma_wait3A_467, %dma_wait3A_468] : memref<2x32x1024xf32, #tpu.memory_space<vmem>> -> memref<1x32x1024xf32, #tpu.memory_space<vmem>>
          %dma_wait3A_470 = tpu.memref_squeeze %dma_wait3A_469 : memref<1x32x1024xf32, #tpu.memory_space<vmem>> -> memref<32x1024xf32, #tpu.memory_space<vmem>>
          %dma_wait3A_471 = arith.constant 0 : i32
          %dma_wait3A_472 = tpu.memref_slice %arg2[%mul3A_464, %dma_wait3A_471] : memref<16384x1024xf32, #tpu.memory_space<hbm>> -> memref<32x1024xf32, #tpu.memory_space<hbm>>
          %dma_wait3A_473 = tpu.memref_slice %run_scoped3A_7[%rem3A_466] : memref<2x!tpu.dma_semaphore, #tpu.memory_space<semaphore_mem>> -> memref<1x!tpu.dma_semaphore, #tpu.memory_space<semaphore_mem>>
          %dma_wait3A_474 = tpu.memref_squeeze %dma_wait3A_473 : memref<1x!tpu.dma_semaphore, #tpu.memory_space<semaphore_mem>> -> memref<!tpu.dma_semaphore, #tpu.memory_space<semaphore_mem>>
          %dma_wait3A_475 = arith.constant 0 : i32
          %dma_wait3A_476 = arith.constant 0 : i32
          %dma_wait3A_477 = tpu.memref_slice %run_scoped3A[%rem3A_466, %dma_wait3A_475, %dma_wait3A_476] : memref<2x32x1024xf32, #tpu.memory_space<vmem>> -> memref<1x32x1024xf32, #tpu.memory_space<vmem>>
          %dma_wait3A_478 = tpu.memref_squeeze %dma_wait3A_477 : memref<1x32x1024xf32, #tpu.memory_space<vmem>> -> memref<32x1024xf32, #tpu.memory_space<vmem>>
          %dma_wait3A_479 = arith.constant 0 : i32
          %dma_wait3A_480 = tpu.memref_slice %arg2[%mul3A_464, %dma_wait3A_479] : memref<16384x1024xf32, #tpu.memory_space<hbm>> -> memref<32x1024xf32, #tpu.memory_space<hbm>>
          tpu.wait_dma2 semaphore(%dma_wait3A_474 : memref<!tpu.dma_semaphore, #tpu.memory_space<semaphore_mem>>) src(%dma_wait3A_480 : memref<32x1024xf32, #tpu.memory_space<hbm>>) dst(%dma_wait3A_478 : memref<32x1024xf32, #tpu.memory_space<vmem>>)
          "tpu.trace_stop"() : () -> ()
        } else {
        }
        %mul3A_314 = arith.constant 64 : i32
        %mul3A_315 = arith.muli %add3A_202, %mul3A_314 : i32
        %add3A_316 = arith.addi %mul3A_315, %add3A_203 : i32
        %mul3A_317 = arith.constant 64 : i32
        %mul3A_318 = arith.muli %add3A_220, %mul3A_317 : i32
        %add3A_319 = arith.addi %mul3A_318, %add3A_221 : i32
        %ne3A_320 = arith.cmpi ne, %add3A_316, %add3A_319 : i32
        %or3A_321 = arith.constant false
        %or3A_322 = arith.ori %or3A_321, %ne3A_320 : i1
        %or3A_323 = arith.constant false
        %or3A_324 = arith.ori %or3A_322, %or3A_323 : i1
        %or3A_325 = arith.ori %or3A_324, %eq3A_198 : i1
        %convert_element_type3A_326 = arith.extui %or3A_325 : i1 to i32
        %cond3A_327 = arith.constant 0 : i32
        %cond3A_328 = arith.cmpi ne, %convert_element_type3A_326, %cond3A_327 : i32
        scf.if %cond3A_328 {
        } else {
        }
        %rem3A_329 = arith.constant 2 : i32
        %rem3A_330 = arith.remui %scan3A_192, %rem3A_329 : i32
        %rem3A_331 = arith.constant 2 : i32
        %rem3A_332 = arith.remui %scan3A_193, %rem3A_331 : i32
        "tpu.trace_start"() <{level = 10 : i32, message = "ep_run_kernel"}> : () -> ()
        %scan3A_333 = arith.constant 0 : i32
        %scan3A_334 = arith.constant 32 : i32
        %scan3A_335 = arith.addi %scan3A_333, %scan3A_334 : i32
        %scan3A_336 = arith.constant 1 : i32
        scf.for %scan3A_458 = %scan3A_333 to %scan3A_335 step %scan3A_336  : i32 {
          %mul3A_459 = arith.constant 1 : i32
          %mul3A_460 = arith.muli %scan3A_458, %mul3A_459 : i32
          %add3A_461 = arith.constant 0 : i32
          %add3A_462 = arith.addi %add3A_461, %mul3A_460 : i32
          %scan3A_463 = arith.constant 0 : i32
          %mul3A_464 = arith.constant 16 : i32
          %mul3A_465 = arith.muli %scan3A_463, %mul3A_464 : i32
          %add3A_466 = arith.constant 0 : i32
          %add3A_467 = arith.addi %add3A_466, %mul3A_465 : i32
          %get3A = arith.constant 0 : i32
          %get3A_468 = arith.constant 0 : i32
          %get3A_469 = tpu.memref_slice %run_scoped3A[%rem3A_330, %get3A, %get3A_468] : memref<2x32x1024xf32, #tpu.memory_space<vmem>> -> memref<1x32x1024xf32, #tpu.memory_space<vmem>>
          %get3A_470 = tpu.memref_squeeze %get3A_469 : memref<1x32x1024xf32, #tpu.memory_space<vmem>> -> memref<32x1024xf32, #tpu.memory_space<vmem>>
          %get3A_471 = arith.index_cast %add3A_462 : i32 to index
          %get3A_472 = arith.index_cast %add3A_467 : i32 to index
          %get3A_473 = tpu.vector_load %get3A_470[%get3A_471, %get3A_472] {strides = array<i32>} : memref<32x1024xf32, #tpu.memory_space<vmem>>, vector<1x16xf32>,
          %get3A_474 = vector.shape_cast %get3A_473 : vector<1x16xf32> to vector<1x16xf32>
          %swap3A = arith.constant 0 : i32
          %swap3A_475 = arith.constant 0 : i32
          %swap3A_476 = tpu.memref_slice %run_scoped3A_8[%rem3A_332, %swap3A, %swap3A_475] : memref<2x32x1024xf32, #tpu.memory_space<vmem>> -> memref<1x32x1024xf32, #tpu.memory_space<vmem>>
          %swap3A_477 = tpu.memref_squeeze %swap3A_476 : memref<1x32x1024xf32, #tpu.memory_space<vmem>> -> memref<32x1024xf32, #tpu.memory_space<vmem>>
          %swap3A_478 = arith.index_cast %add3A_462 : i32 to index
          %swap3A_479 = arith.index_cast %add3A_467 : i32 to index
          %swap3A_480 = tpu.vector_load %swap3A_477[%swap3A_478, %swap3A_479] {strides = array<i32>} : memref<32x1024xf32, #tpu.memory_space<vmem>>, vector<1x16xf32>,
          %swap3A_481 = vector.shape_cast %swap3A_480 : vector<1x16xf32> to vector<1x16xf32>
          %swap3A_482 = vector.shape_cast %get3A_474 : vector<1x16xf32> to vector<1x16xf32>
          tpu.vector_store %swap3A_477[%swap3A_478, %swap3A_479], %swap3A_482 {strides = array<i32>} : memref<32x1024xf32, #tpu.memory_space<vmem>>, vector<1x16xf32>,
          %scan3A_483 = arith.constant 1 : i32
          %mul3A_484 = arith.constant 16 : i32
          %mul3A_485 = arith.muli %scan3A_483, %mul3A_484 : i32
          %add3A_486 = arith.constant 0 : i32
          %add3A_487 = arith.addi %add3A_486, %mul3A_485 : i32
          %get3A_488 = arith.constant 0 : i32
          %get3A_489 = arith.constant 0 : i32
          %get3A_490 = tpu.memref_slice %run_scoped3A[%rem3A_330, %get3A_488, %get3A_489] : memref<2x32x1024xf32, #tpu.memory_space<vmem>> -> memref<1x32x1024xf32, #tpu.memory_space<vmem>>
          %get3A_491 = tpu.memref_squeeze %get3A_490 : memref<1x32x1024xf32, #tpu.memory_space<vmem>> -> memref<32x1024xf32, #tpu.memory_space<vmem>>
          %get3A_492 = arith.index_cast %add3A_462 : i32 to index
          %get3A_493 = arith.index_cast %add3A_487 : i32 to index
          %get3A_494 = tpu.vector_load %get3A_491[%get3A_492, %get3A_493] {strides = array<i32>} : memref<32x1024xf32, #tpu.memory_space<vmem>>, vector<1x16xf32>,
          %get3A_495 = vector.shape_cast %get3A_494 : vector<1x16xf32> to vector<1x16xf32>
          %swap3A_496 = arith.constant 0 : i32
          %swap3A_497 = arith.constant 0 : i32
          %swap3A_498 = tpu.memref_slice %run_scoped3A_8[%rem3A_332, %swap3A_496, %swap3A_497] : memref<2x32x1024xf32, #tpu.memory_space<vmem>> -> memref<1x32x1024xf32, #tpu.memory_space<vmem>>
          %swap3A_499 = tpu.memref_squeeze %swap3A_498 : memref<1x32x1024xf32, #tpu.memory_space<vmem>> -> memref<32x1024xf32, #tpu.memory_space<vmem>>
          %swap3A_500 = arith.index_cast %add3A_462 : i32 to index
          %swap3A_501 = arith.index_cast %add3A_487 : i32 to index
          %swap3A_502 = tpu.vector_load %swap3A_499[%swap3A_500, %swap3A_501] {strides = array<i32>} : memref<32x1024xf32, #tpu.memory_space<vmem>>, vector<1x16xf32>,
          %swap3A_503 = vector.shape_cast %swap3A_502 : vector<1x16xf32> to vector<1x16xf32>
          %swap3A_504 = vector.shape_cast %get3A_495 : vector<1x16xf32> to vector<1x16xf32>
          tpu.vector_store %swap3A_499[%swap3A_500, %swap3A_501], %swap3A_504 {strides = array<i32>} : memref<32x1024xf32, #tpu.memory_space<vmem>>, vector<1x16xf32>,
          %scan3A_505 = arith.constant 2 : i32
          %mul3A_506 = arith.constant 16 : i32
          %mul3A_507 = arith.muli %scan3A_505, %mul3A_506 : i32
          %add3A_508 = arith.constant 0 : i32
          %add3A_509 = arith.addi %add3A_508, %mul3A_507 : i32
          %get3A_510 = arith.constant 0 : i32
          %get3A_511 = arith.constant 0 : i32
          %get3A_512 = tpu.memref_slice %run_scoped3A[%rem3A_330, %get3A_510, %get3A_511] : memref<2x32x1024xf32, #tpu.memory_space<vmem>> -> memref<1x32x1024xf32, #tpu.memory_space<vmem>>
          %get3A_513 = tpu.memref_squeeze %get3A_512 : memref<1x32x1024xf32, #tpu.memory_space<vmem>> -> memref<32x1024xf32, #tpu.memory_space<vmem>>
          %get3A_514 = arith.index_cast %add3A_462 : i32 to index
          %get3A_515 = arith.index_cast %add3A_509 : i32 to index
          %get3A_516 = tpu.vector_load %get3A_513[%get3A_514, %get3A_515] {strides = array<i32>} : memref<32x1024xf32, #tpu.memory_space<vmem>>, vector<1x16xf32>,
          %get3A_517 = vector.shape_cast %get3A_516 : vector<1x16xf32> to vector<1x16xf32>
          %swap3A_518 = arith.constant 0 : i32
          %swap3A_519 = arith.constant 0 : i32
          %swap3A_520 = tpu.memref_slice %run_scoped3A_8[%rem3A_332, %swap3A_518, %swap3A_519] : memref<2x32x1024xf32, #tpu.memory_space<vmem>> -> memref<1x32x1024xf32, #tpu.memory_space<vmem>>
          %swap3A_521 = tpu.memref_squeeze %swap3A_520 : memref<1x32x1024xf32, #tpu.memory_space<vmem>> -> memref<32x1024xf32, #tpu.memory_space<vmem>>
          %swap3A_522 = arith.index_cast %add3A_462 : i32 to index
          %swap3A_523 = arith.index_cast %add3A_509 : i32 to index
          %swap3A_524 = tpu.vector_load %swap3A_521[%swap3A_522, %swap3A_523] {strides = array<i32>} : memref<32x1024xf32, #tpu.memory_space<vmem>>, vector<1x16xf32>,
          %swap3A_525 = vector.shape_cast %swap3A_524 : vector<1x16xf32> to vector<1x16xf32>
          %swap3A_526 = vector.shape_cast %get3A_517 : vector<1x16xf32> to vector<1x16xf32>
          tpu.vector_store %swap3A_521[%swap3A_522, %swap3A_523], %swap3A_526 {strides = array<i32>} : memref<32x1024xf32, #tpu.memory_space<vmem>>, vector<1x16xf32>,
          %scan3A_527 = arith.constant 3 : i32
          %mul3A_528 = arith.constant 16 : i32
          %mul3A_529 = arith.muli %scan3A_527, %mul3A_528 : i32
          %add3A_530 = arith.constant 0 : i32
          %add3A_531 = arith.addi %add3A_530, %mul3A_529 : i32
          %get3A_532 = arith.constant 0 : i32
          %get3A_533 = arith.constant 0 : i32
          %get3A_534 = tpu.memref_slice %run_scoped3A[%rem3A_330, %get3A_532, %get3A_533] : memref<2x32x1024xf32, #tpu.memory_space<vmem>> -> memref<1x32x1024xf32, #tpu.memory_space<vmem>>
          %get3A_535 = tpu.memref_squeeze %get3A_534 : memref<1x32x1024xf32, #tpu.memory_space<vmem>> -> memref<32x1024xf32, #tpu.memory_space<vmem>>
          %get3A_536 = arith.index_cast %add3A_462 : i32 to index
          %get3A_537 = arith.index_cast %add3A_531 : i32 to index
          %get3A_538 = tpu.vector_load %get3A_535[%get3A_536, %get3A_537] {strides = array<i32>} : memref<32x1024xf32, #tpu.memory_space<vmem>>, vector<1x16xf32>,
          %get3A_539 = vector.shape_cast %get3A_538 : vector<1x16xf32> to vector<1x16xf32>
          %swap3A_540 = arith.constant 0 : i32
          %swap3A_541 = arith.constant 0 : i32
          %swap3A_542 = tpu.memref_slice %run_scoped3A_8[%rem3A_332, %swap3A_540, %swap3A_541] : memref<2x32x1024xf32, #tpu.memory_space<vmem>> -> memref<1x32x1024xf32, #tpu.memory_space<vmem>>
          %swap3A_543 = tpu.memref_squeeze %swap3A_542 : memref<1x32x1024xf32, #tpu.memory_space<vmem>> -> memref<32x1024xf32, #tpu.memory_space<vmem>>
          %swap3A_544 = arith.index_cast %add3A_462 : i32 to index
          %swap3A_545 = arith.index_cast %add3A_531 : i32 to index
          %swap3A_546 = tpu.vector_load %swap3A_543[%swap3A_544, %swap3A_545] {strides = array<i32>} : memref<32x1024xf32, #tpu.memory_space<vmem>>, vector<1x16xf32>,
          %swap3A_547 = vector.shape_cast %swap3A_546 : vector<1x16xf32> to vector<1x16xf32>
          %swap3A_548 = vector.shape_cast %get3A_539 : vector<1x16xf32> to vector<1x16xf32>
          tpu.vector_store %swap3A_543[%swap3A_544, %swap3A_545], %swap3A_548 {strides = array<i32>} : memref<32x1024xf32, #tpu.memory_space<vmem>>, vector<1x16xf32>,
          %scan3A_549 = arith.constant 4 : i32
          %mul3A_550 = arith.constant 16 : i32
          %mul3A_551 = arith.muli %scan3A_549, %mul3A_550 : i32
          %add3A_552 = arith.constant 0 : i32
          %add3A_553 = arith.addi %add3A_552, %mul3A_551 : i32
          %get3A_554 = arith.constant 0 : i32
          %get3A_555 = arith.constant 0 : i32
          %get3A_556 = tpu.memref_slice %run_scoped3A[%rem3A_330, %get3A_554, %get3A_555] : memref<2x32x1024xf32, #tpu.memory_space<vmem>> -> memref<1x32x1024xf32, #tpu.memory_space<vmem>>
          %get3A_557 = tpu.memref_squeeze %get3A_556 : memref<1x32x1024xf32, #tpu.memory_space<vmem>> -> memref<32x1024xf32, #tpu.memory_space<vmem>>
          %get3A_558 = arith.index_cast %add3A_462 : i32 to index
          %get3A_559 = arith.index_cast %add3A_553 : i32 to index
          %get3A_560 = tpu.vector_load %get3A_557[%get3A_558, %get3A_559] {strides = array<i32>} : memref<32x1024xf32, #tpu.memory_space<vmem>>, vector<1x16xf32>,
          %get3A_561 = vector.shape_cast %get3A_560 : vector<1x16xf32> to vector<1x16xf32>
          %swap3A_562 = arith.constant 0 : i32
          %swap3A_563 = arith.constant 0 : i32
          %swap3A_564 = tpu.memref_slice %run_scoped3A_8[%rem3A_332, %swap3A_562, %swap3A_563] : memref<2x32x1024xf32, #tpu.memory_space<vmem>> -> memref<1x32x1024xf32, #tpu.memory_space<vmem>>
          %swap3A_565 = tpu.memref_squeeze %swap3A_564 : memref<1x32x1024xf32, #tpu.memory_space<vmem>> -> memref<32x1024xf32, #tpu.memory_space<vmem>>
          %swap3A_566 = arith.index_cast %add3A_462 : i32 to index
          %swap3A_567 = arith.index_cast %add3A_553 : i32 to index
          %swap3A_568 = tpu.vector_load %swap3A_565[%swap3A_566, %swap3A_567] {strides = array<i32>} : memref<32x1024xf32, #tpu.memory_space<vmem>>, vector<1x16xf32>,
          %swap3A_569 = vector.shape_cast %swap3A_568 : vector<1x16xf32> to vector<1x16xf32>
          %swap3A_570 = vector.shape_cast %get3A_561 : vector<1x16xf32> to vector<1x16xf32>
          tpu.vector_store %swap3A_565[%swap3A_566, %swap3A_567], %swap3A_570 {strides = array<i32>} : memref<32x1024xf32, #tpu.memory_space<vmem>>, vector<1x16xf32>,
          %scan3A_571 = arith.constant 5 : i32
          %mul3A_572 = arith.constant 16 : i32
          %mul3A_573 = arith.muli %scan3A_571, %mul3A_572 : i32
          %add3A_574 = arith.constant 0 : i32
          %add3A_575 = arith.addi %add3A_574, %mul3A_573 : i32
          %get3A_576 = arith.constant 0 : i32
          %get3A_577 = arith.constant 0 : i32
          %get3A_578 = tpu.memref_slice %run_scoped3A[%rem3A_330, %get3A_576, %get3A_577] : memref<2x32x1024xf32, #tpu.memory_space<vmem>> -> memref<1x32x1024xf32, #tpu.memory_space<vmem>>
          %get3A_579 = tpu.memref_squeeze %get3A_578 : memref<1x32x1024xf32, #tpu.memory_space<vmem>> -> memref<32x1024xf32, #tpu.memory_space<vmem>>
          %get3A_580 = arith.index_cast %add3A_462 : i32 to index
          %get3A_581 = arith.index_cast %add3A_575 : i32 to index
          %get3A_582 = tpu.vector_load %get3A_579[%get3A_580, %get3A_581] {strides = array<i32>} : memref<32x1024xf32, #tpu.memory_space<vmem>>, vector<1x16xf32>,
          %get3A_583 = vector.shape_cast %get3A_582 : vector<1x16xf32> to vector<1x16xf32>
          %swap3A_584 = arith.constant 0 : i32
          %swap3A_585 = arith.constant 0 : i32
          %swap3A_586 = tpu.memref_slice %run_scoped3A_8[%rem3A_332, %swap3A_584, %swap3A_585] : memref<2x32x1024xf32, #tpu.memory_space<vmem>> -> memref<1x32x1024xf32, #tpu.memory_space<vmem>>
          %swap3A_587 = tpu.memref_squeeze %swap3A_586 : memref<1x32x1024xf32, #tpu.memory_space<vmem>> -> memref<32x1024xf32, #tpu.memory_space<vmem>>
          %swap3A_588 = arith.index_cast %add3A_462 : i32 to index
          %swap3A_589 = arith.index_cast %add3A_575 : i32 to index
          %swap3A_590 = tpu.vector_load %swap3A_587[%swap3A_588, %swap3A_589] {strides = array<i32>} : memref<32x1024xf32, #tpu.memory_space<vmem>>, vector<1x16xf32>,
          %swap3A_591 = vector.shape_cast %swap3A_590 : vector<1x16xf32> to vector<1x16xf32>
          %swap3A_592 = vector.shape_cast %get3A_583 : vector<1x16xf32> to vector<1x16xf32>
          tpu.vector_store %swap3A_587[%swap3A_588, %swap3A_589], %swap3A_592 {strides = array<i32>} : memref<32x1024xf32, #tpu.memory_space<vmem>>, vector<1x16xf32>,
          %scan3A_593 = arith.constant 6 : i32
          %mul3A_594 = arith.constant 16 : i32
          %mul3A_595 = arith.muli %scan3A_593, %mul3A_594 : i32
          %add3A_596 = arith.constant 0 : i32
          %add3A_597 = arith.addi %add3A_596, %mul3A_595 : i32
          %get3A_598 = arith.constant 0 : i32
          %get3A_599 = arith.constant 0 : i32
          %get3A_600 = tpu.memref_slice %run_scoped3A[%rem3A_330, %get3A_598, %get3A_599] : memref<2x32x1024xf32, #tpu.memory_space<vmem>> -> memref<1x32x1024xf32, #tpu.memory_space<vmem>>
          %get3A_601 = tpu.memref_squeeze %get3A_600 : memref<1x32x1024xf32, #tpu.memory_space<vmem>> -> memref<32x1024xf32, #tpu.memory_space<vmem>>
          %get3A_602 = arith.index_cast %add3A_462 : i32 to index
          %get3A_603 = arith.index_cast %add3A_597 : i32 to index
          %get3A_604 = tpu.vector_load %get3A_601[%get3A_602, %get3A_603] {strides = array<i32>} : memref<32x1024xf32, #tpu.memory_space<vmem>>, vector<1x16xf32>,
          %get3A_605 = vector.shape_cast %get3A_604 : vector<1x16xf32> to vector<1x16xf32>
          %swap3A_606 = arith.constant 0 : i32
          %swap3A_607 = arith.constant 0 : i32
          %swap3A_608 = tpu.memref_slice %run_scoped3A_8[%rem3A_332, %swap3A_606, %swap3A_607] : memref<2x32x1024xf32, #tpu.memory_space<vmem>> -> memref<1x32x1024xf32, #tpu.memory_space<vmem>>
          %swap3A_609 = tpu.memref_squeeze %swap3A_608 : memref<1x32x1024xf32, #tpu.memory_space<vmem>> -> memref<32x1024xf32, #tpu.memory_space<vmem>>
          %swap3A_610 = arith.index_cast %add3A_462 : i32 to index
          %swap3A_611 = arith.index_cast %add3A_597 : i32 to index
          %swap3A_612 = tpu.vector_load %swap3A_609[%swap3A_610, %swap3A_611] {strides = array<i32>} : memref<32x1024xf32, #tpu.memory_space<vmem>>, vector<1x16xf32>,
          %swap3A_613 = vector.shape_cast %swap3A_612 : vector<1x16xf32> to vector<1x16xf32>
          %swap3A_614 = vector.shape_cast %get3A_605 : vector<1x16xf32> to vector<1x16xf32>
          tpu.vector_store %swap3A_609[%swap3A_610, %swap3A_611], %swap3A_614 {strides = array<i32>} : memref<32x1024xf32, #tpu.memory_space<vmem>>, vector<1x16xf32>,
          %scan3A_615 = arith.constant 7 : i32
          %mul3A_616 = arith.constant 16 : i32
          %mul3A_617 = arith.muli %scan3A_615, %mul3A_616 : i32
          %add3A_618 = arith.constant 0 : i32
          %add3A_619 = arith.addi %add3A_618, %mul3A_617 : i32
          %get3A_620 = arith.constant 0 : i32
          %get3A_621 = arith.constant 0 : i32
          %get3A_622 = tpu.memref_slice %run_scoped3A[%rem3A_330, %get3A_620, %get3A_621] : memref<2x32x1024xf32, #tpu.memory_space<vmem>> -> memref<1x32x1024xf32, #tpu.memory_space<vmem>>
          %get3A_623 = tpu.memref_squeeze %get3A_622 : memref<1x32x1024xf32, #tpu.memory_space<vmem>> -> memref<32x1024xf32, #tpu.memory_space<vmem>>
          %get3A_624 = arith.index_cast %add3A_462 : i32 to index
          %get3A_625 = arith.index_cast %add3A_619 : i32 to index
          %get3A_626 = tpu.vector_load %get3A_623[%get3A_624, %get3A_625] {strides = array<i32>} : memref<32x1024xf32, #tpu.memory_space<vmem>>, vector<1x16xf32>,
          %get3A_627 = vector.shape_cast %get3A_626 : vector<1x16xf32> to vector<1x16xf32>
          %swap3A_628 = arith.constant 0 : i32
          %swap3A_629 = arith.constant 0 : i32
          %swap3A_630 = tpu.memref_slice %run_scoped3A_8[%rem3A_332, %swap3A_628, %swap3A_629] : memref<2x32x1024xf32, #tpu.memory_space<vmem>> -> memref<1x32x1024xf32, #tpu.memory_space<vmem>>
          %swap3A_631 = tpu.memref_squeeze %swap3A_630 : memref<1x32x1024xf32, #tpu.memory_space<vmem>> -> memref<32x1024xf32, #tpu.memory_space<vmem>>
          %swap3A_632 = arith.index_cast %add3A_462 : i32 to index
          %swap3A_633 = arith.index_cast %add3A_619 : i32 to index
          %swap3A_634 = tpu.vector_load %swap3A_631[%swap3A_632, %swap3A_633] {strides = array<i32>} : memref<32x1024xf32, #tpu.memory_space<vmem>>, vector<1x16xf32>,
          %swap3A_635 = vector.shape_cast %swap3A_634 : vector<1x16xf32> to vector<1x16xf32>
          %swap3A_636 = vector.shape_cast %get3A_627 : vector<1x16xf32> to vector<1x16xf32>
          tpu.vector_store %swap3A_631[%swap3A_632, %swap3A_633], %swap3A_636 {strides = array<i32>} : memref<32x1024xf32, #tpu.memory_space<vmem>>, vector<1x16xf32>,
          %scan3A_637 = arith.constant 8 : i32
          %mul3A_638 = arith.constant 16 : i32
          %mul3A_639 = arith.muli %scan3A_637, %mul3A_638 : i32
          %add3A_640 = arith.constant 0 : i32
          %add3A_641 = arith.addi %add3A_640, %mul3A_639 : i32
          %get3A_642 = arith.constant 0 : i32
          %get3A_643 = arith.constant 0 : i32
          %get3A_644 = tpu.memref_slice %run_scoped3A[%rem3A_330, %get3A_642, %get3A_643] : memref<2x32x1024xf32, #tpu.memory_space<vmem>> -> memref<1x32x1024xf32, #tpu.memory_space<vmem>>
          %get3A_645 = tpu.memref_squeeze %get3A_644 : memref<1x32x1024xf32, #tpu.memory_space<vmem>> -> memref<32x1024xf32, #tpu.memory_space<vmem>>
          %get3A_646 = arith.index_cast %add3A_462 : i32 to index
          %get3A_647 = arith.index_cast %add3A_641 : i32 to index
          %get3A_648 = tpu.vector_load %get3A_645[%get3A_646, %get3A_647] {strides = array<i32>} : memref<32x1024xf32, #tpu.memory_space<vmem>>, vector<1x16xf32>,
          %get3A_649 = vector.shape_cast %get3A_648 : vector<1x16xf32> to vector<1x16xf32>
          %swap3A_650 = arith.constant 0 : i32
          %swap3A_651 = arith.constant 0 : i32
          %swap3A_652 = tpu.memref_slice %run_scoped3A_8[%rem3A_332, %swap3A_650, %swap3A_651] : memref<2x32x1024xf32, #tpu.memory_space<vmem>> -> memref<1x32x1024xf32, #tpu.memory_space<vmem>>
          %swap3A_653 = tpu.memref_squeeze %swap3A_652 : memref<1x32x1024xf32, #tpu.memory_space<vmem>> -> memref<32x1024xf32, #tpu.memory_space<vmem>>
          %swap3A_654 = arith.index_cast %add3A_462 : i32 to index
          %swap3A_655 = arith.index_cast %add3A_641 : i32 to index
          %swap3A_656 = tpu.vector_load %swap3A_653[%swap3A_654, %swap3A_655] {strides = array<i32>} : memref<32x1024xf32, #tpu.memory_space<vmem>>, vector<1x16xf32>,
          %swap3A_657 = vector.shape_cast %swap3A_656 : vector<1x16xf32> to vector<1x16xf32>
          %swap3A_658 = vector.shape_cast %get3A_649 : vector<1x16xf32> to vector<1x16xf32>
          tpu.vector_store %swap3A_653[%swap3A_654, %swap3A_655], %swap3A_658 {strides = array<i32>} : memref<32x1024xf32, #tpu.memory_space<vmem>>, vector<1x16xf32>,
          %scan3A_659 = arith.constant 9 : i32
          %mul3A_660 = arith.constant 16 : i32
          %mul3A_661 = arith.muli %scan3A_659, %mul3A_660 : i32
          %add3A_662 = arith.constant 0 : i32
          %add3A_663 = arith.addi %add3A_662, %mul3A_661 : i32
          %get3A_664 = arith.constant 0 : i32
          %get3A_665 = arith.constant 0 : i32
          %get3A_666 = tpu.memref_slice %run_scoped3A[%rem3A_330, %get3A_664, %get3A_665] : memref<2x32x1024xf32, #tpu.memory_space<vmem>> -> memref<1x32x1024xf32, #tpu.memory_space<vmem>>
          %get3A_667 = tpu.memref_squeeze %get3A_666 : memref<1x32x1024xf32, #tpu.memory_space<vmem>> -> memref<32x1024xf32, #tpu.memory_space<vmem>>
          %get3A_668 = arith.index_cast %add3A_462 : i32 to index
          %get3A_669 = arith.index_cast %add3A_663 : i32 to index
          %get3A_670 = tpu.vector_load %get3A_667[%get3A_668, %get3A_669] {strides = array<i32>} : memref<32x1024xf32, #tpu.memory_space<vmem>>, vector<1x16xf32>,
          %get3A_671 = vector.shape_cast %get3A_670 : vector<1x16xf32> to vector<1x16xf32>
          %swap3A_672 = arith.constant 0 : i32
          %swap3A_673 = arith.constant 0 : i32
          %swap3A_674 = tpu.memref_slice %run_scoped3A_8[%rem3A_332, %swap3A_672, %swap3A_673] : memref<2x32x1024xf32, #tpu.memory_space<vmem>> -> memref<1x32x1024xf32, #tpu.memory_space<vmem>>
          %swap3A_675 = tpu.memref_squeeze %swap3A_674 : memref<1x32x1024xf32, #tpu.memory_space<vmem>> -> memref<32x1024xf32, #tpu.memory_space<vmem>>
          %swap3A_676 = arith.index_cast %add3A_462 : i32 to index
          %swap3A_677 = arith.index_cast %add3A_663 : i32 to index
          %swap3A_678 = tpu.vector_load %swap3A_675[%swap3A_676, %swap3A_677] {strides = array<i32>} : memref<32x1024xf32, #tpu.memory_space<vmem>>, vector<1x16xf32>,
          %swap3A_679 = vector.shape_cast %swap3A_678 : vector<1x16xf32> to vector<1x16xf32>
          %swap3A_680 = vector.shape_cast %get3A_671 : vector<1x16xf32> to vector<1x16xf32>
          tpu.vector_store %swap3A_675[%swap3A_676, %swap3A_677], %swap3A_680 {strides = array<i32>} : memref<32x1024xf32, #tpu.memory_space<vmem>>, vector<1x16xf32>,
          %scan3A_681 = arith.constant 10 : i32
          %mul3A_682 = arith.constant 16 : i32
          %mul3A_683 = arith.muli %scan3A_681, %mul3A_682 : i32
          %add3A_684 = arith.constant 0 : i32
          %add3A_685 = arith.addi %add3A_684, %mul3A_683 : i32
          %get3A_686 = arith.constant 0 : i32
          %get3A_687 = arith.constant 0 : i32
          %get3A_688 = tpu.memref_slice %run_scoped3A[%rem3A_330, %get3A_686, %get3A_687] : memref<2x32x1024xf32, #tpu.memory_space<vmem>> -> memref<1x32x1024xf32, #tpu.memory_space<vmem>>
          %get3A_689 = tpu.memref_squeeze %get3A_688 : memref<1x32x1024xf32, #tpu.memory_space<vmem>> -> memref<32x1024xf32, #tpu.memory_space<vmem>>
          %get3A_690 = arith.index_cast %add3A_462 : i32 to index
          %get3A_691 = arith.index_cast %add3A_685 : i32 to index
          %get3A_692 = tpu.vector_load %get3A_689[%get3A_690, %get3A_691] {strides = array<i32>} : memref<32x1024xf32, #tpu.memory_space<vmem>>, vector<1x16xf32>,
          %get3A_693 = vector.shape_cast %get3A_692 : vector<1x16xf32> to vector<1x16xf32>
          %swap3A_694 = arith.constant 0 : i32
          %swap3A_695 = arith.constant 0 : i32
          %swap3A_696 = tpu.memref_slice %run_scoped3A_8[%rem3A_332, %swap3A_694, %swap3A_695] : memref<2x32x1024xf32, #tpu.memory_space<vmem>> -> memref<1x32x1024xf32, #tpu.memory_space<vmem>>
          %swap3A_697 = tpu.memref_squeeze %swap3A_696 : memref<1x32x1024xf32, #tpu.memory_space<vmem>> -> memref<32x1024xf32, #tpu.memory_space<vmem>>
          %swap3A_698 = arith.index_cast %add3A_462 : i32 to index
          %swap3A_699 = arith.index_cast %add3A_685 : i32 to index
          %swap3A_700 = tpu.vector_load %swap3A_697[%swap3A_698, %swap3A_699] {strides = array<i32>} : memref<32x1024xf32, #tpu.memory_space<vmem>>, vector<1x16xf32>,
          %swap3A_701 = vector.shape_cast %swap3A_700 : vector<1x16xf32> to vector<1x16xf32>
          %swap3A_702 = vector.shape_cast %get3A_693 : vector<1x16xf32> to vector<1x16xf32>
          tpu.vector_store %swap3A_697[%swap3A_698, %swap3A_699], %swap3A_702 {strides = array<i32>} : memref<32x1024xf32, #tpu.memory_space<vmem>>, vector<1x16xf32>,
          %scan3A_703 = arith.constant 11 : i32
          %mul3A_704 = arith.constant 16 : i32
          %mul3A_705 = arith.muli %scan3A_703, %mul3A_704 : i32
          %add3A_706 = arith.constant 0 : i32
          %add3A_707 = arith.addi %add3A_706, %mul3A_705 : i32
          %get3A_708 = arith.constant 0 : i32
          %get3A_709 = arith.constant 0 : i32
          %get3A_710 = tpu.memref_slice %run_scoped3A[%rem3A_330, %get3A_708, %get3A_709] : memref<2x32x1024xf32, #tpu.memory_space<vmem>> -> memref<1x32x1024xf32, #tpu.memory_space<vmem>>
          %get3A_711 = tpu.memref_squeeze %get3A_710 : memref<1x32x1024xf32, #tpu.memory_space<vmem>> -> memref<32x1024xf32, #tpu.memory_space<vmem>>
          %get3A_712 = arith.index_cast %add3A_462 : i32 to index
          %get3A_713 = arith.index_cast %add3A_707 : i32 to index
          %get3A_714 = tpu.vector_load %get3A_711[%get3A_712, %get3A_713] {strides = array<i32>} : memref<32x1024xf32, #tpu.memory_space<vmem>>, vector<1x16xf32>,
          %get3A_715 = vector.shape_cast %get3A_714 : vector<1x16xf32> to vector<1x16xf32>
          %swap3A_716 = arith.constant 0 : i32
          %swap3A_717 = arith.constant 0 : i32
          %swap3A_718 = tpu.memref_slice %run_scoped3A_8[%rem3A_332, %swap3A_716, %swap3A_717] : memref<2x32x1024xf32, #tpu.memory_space<vmem>> -> memref<1x32x1024xf32, #tpu.memory_space<vmem>>
          %swap3A_719 = tpu.memref_squeeze %swap3A_718 : memref<1x32x1024xf32, #tpu.memory_space<vmem>> -> memref<32x1024xf32, #tpu.memory_space<vmem>>
          %swap3A_720 = arith.index_cast %add3A_462 : i32 to index
          %swap3A_721 = arith.index_cast %add3A_707 : i32 to index
          %swap3A_722 = tpu.vector_load %swap3A_719[%swap3A_720, %swap3A_721] {strides = array<i32>} : memref<32x1024xf32, #tpu.memory_space<vmem>>, vector<1x16xf32>,
          %swap3A_723 = vector.shape_cast %swap3A_722 : vector<1x16xf32> to vector<1x16xf32>
          %swap3A_724 = vector.shape_cast %get3A_715 : vector<1x16xf32> to vector<1x16xf32>
          tpu.vector_store %swap3A_719[%swap3A_720, %swap3A_721], %swap3A_724 {strides = array<i32>} : memref<32x1024xf32, #tpu.memory_space<vmem>>, vector<1x16xf32>,
          %scan3A_725 = arith.constant 12 : i32
          %mul3A_726 = arith.constant 16 : i32
          %mul3A_727 = arith.muli %scan3A_725, %mul3A_726 : i32
          %add3A_728 = arith.constant 0 : i32
          %add3A_729 = arith.addi %add3A_728, %mul3A_727 : i32
          %get3A_730 = arith.constant 0 : i32
          %get3A_731 = arith.constant 0 : i32
          %get3A_732 = tpu.memref_slice %run_scoped3A[%rem3A_330, %get3A_730, %get3A_731] : memref<2x32x1024xf32, #tpu.memory_space<vmem>> -> memref<1x32x1024xf32, #tpu.memory_space<vmem>>
          %get3A_733 = tpu.memref_squeeze %get3A_732 : memref<1x32x1024xf32, #tpu.memory_space<vmem>> -> memref<32x1024xf32, #tpu.memory_space<vmem>>
          %get3A_734 = arith.index_cast %add3A_462 : i32 to index
          %get3A_735 = arith.index_cast %add3A_729 : i32 to index
          %get3A_736 = tpu.vector_load %get3A_733[%get3A_734, %get3A_735] {strides = array<i32>} : memref<32x1024xf32, #tpu.memory_space<vmem>>, vector<1x16xf32>,
          %get3A_737 = vector.shape_cast %get3A_736 : vector<1x16xf32> to vector<1x16xf32>
          %swap3A_738 = arith.constant 0 : i32
          %swap3A_739 = arith.constant 0 : i32
          %swap3A_740 = tpu.memref_slice %run_scoped3A_8[%rem3A_332, %swap3A_738, %swap3A_739] : memref<2x32x1024xf32, #tpu.memory_space<vmem>> -> memref<1x32x1024xf32, #tpu.memory_space<vmem>>
          %swap3A_741 = tpu.memref_squeeze %swap3A_740 : memref<1x32x1024xf32, #tpu.memory_space<vmem>> -> memref<32x1024xf32, #tpu.memory_space<vmem>>
          %swap3A_742 = arith.index_cast %add3A_462 : i32 to index
          %swap3A_743 = arith.index_cast %add3A_729 : i32 to index
          %swap3A_744 = tpu.vector_load %swap3A_741[%swap3A_742, %swap3A_743] {strides = array<i32>} : memref<32x1024xf32, #tpu.memory_space<vmem>>, vector<1x16xf32>,
          %swap3A_745 = vector.shape_cast %swap3A_744 : vector<1x16xf32> to vector<1x16xf32>
          %swap3A_746 = vector.shape_cast %get3A_737 : vector<1x16xf32> to vector<1x16xf32>
          tpu.vector_store %swap3A_741[%swap3A_742, %swap3A_743], %swap3A_746 {strides = array<i32>} : memref<32x1024xf32, #tpu.memory_space<vmem>>, vector<1x16xf32>,
          %scan3A_747 = arith.constant 13 : i32
          %mul3A_748 = arith.constant 16 : i32
          %mul3A_749 = arith.muli %scan3A_747, %mul3A_748 : i32
          %add3A_750 = arith.constant 0 : i32
          %add3A_751 = arith.addi %add3A_750, %mul3A_749 : i32
          %get3A_752 = arith.constant 0 : i32
          %get3A_753 = arith.constant 0 : i32
          %get3A_754 = tpu.memref_slice %run_scoped3A[%rem3A_330, %get3A_752, %get3A_753] : memref<2x32x1024xf32, #tpu.memory_space<vmem>> -> memref<1x32x1024xf32, #tpu.memory_space<vmem>>
          %get3A_755 = tpu.memref_squeeze %get3A_754 : memref<1x32x1024xf32, #tpu.memory_space<vmem>> -> memref<32x1024xf32, #tpu.memory_space<vmem>>
          %get3A_756 = arith.index_cast %add3A_462 : i32 to index
          %get3A_757 = arith.index_cast %add3A_751 : i32 to index
          %get3A_758 = tpu.vector_load %get3A_755[%get3A_756, %get3A_757] {strides = array<i32>} : memref<32x1024xf32, #tpu.memory_space<vmem>>, vector<1x16xf32>,
          %get3A_759 = vector.shape_cast %get3A_758 : vector<1x16xf32> to vector<1x16xf32>
          %swap3A_760 = arith.constant 0 : i32
          %swap3A_761 = arith.constant 0 : i32
          %swap3A_762 = tpu.memref_slice %run_scoped3A_8[%rem3A_332, %swap3A_760, %swap3A_761] : memref<2x32x1024xf32, #tpu.memory_space<vmem>> -> memref<1x32x1024xf32, #tpu.memory_space<vmem>>
          %swap3A_763 = tpu.memref_squeeze %swap3A_762 : memref<1x32x1024xf32, #tpu.memory_space<vmem>> -> memref<32x1024xf32, #tpu.memory_space<vmem>>
          %swap3A_764 = arith.index_cast %add3A_462 : i32 to index
          %swap3A_765 = arith.index_cast %add3A_751 : i32 to index
          %swap3A_766 = tpu.vector_load %swap3A_763[%swap3A_764, %swap3A_765] {strides = array<i32>} : memref<32x1024xf32, #tpu.memory_space<vmem>>, vector<1x16xf32>,
          %swap3A_767 = vector.shape_cast %swap3A_766 : vector<1x16xf32> to vector<1x16xf32>
          %swap3A_768 = vector.shape_cast %get3A_759 : vector<1x16xf32> to vector<1x16xf32>
          tpu.vector_store %swap3A_763[%swap3A_764, %swap3A_765], %swap3A_768 {strides = array<i32>} : memref<32x1024xf32, #tpu.memory_space<vmem>>, vector<1x16xf32>,
          %scan3A_769 = arith.constant 14 : i32
          %mul3A_770 = arith.constant 16 : i32
          %mul3A_771 = arith.muli %scan3A_769, %mul3A_770 : i32
          %add3A_772 = arith.constant 0 : i32
          %add3A_773 = arith.addi %add3A_772, %mul3A_771 : i32
          %get3A_774 = arith.constant 0 : i32
          %get3A_775 = arith.constant 0 : i32
          %get3A_776 = tpu.memref_slice %run_scoped3A[%rem3A_330, %get3A_774, %get3A_775] : memref<2x32x1024xf32, #tpu.memory_space<vmem>> -> memref<1x32x1024xf32, #tpu.memory_space<vmem>>
          %get3A_777 = tpu.memref_squeeze %get3A_776 : memref<1x32x1024xf32, #tpu.memory_space<vmem>> -> memref<32x1024xf32, #tpu.memory_space<vmem>>
          %get3A_778 = arith.index_cast %add3A_462 : i32 to index
          %get3A_779 = arith.index_cast %add3A_773 : i32 to index
          %get3A_780 = tpu.vector_load %get3A_777[%get3A_778, %get3A_779] {strides = array<i32>} : memref<32x1024xf32, #tpu.memory_space<vmem>>, vector<1x16xf32>,
          %get3A_781 = vector.shape_cast %get3A_780 : vector<1x16xf32> to vector<1x16xf32>
          %swap3A_782 = arith.constant 0 : i32
          %swap3A_783 = arith.constant 0 : i32
          %swap3A_784 = tpu.memref_slice %run_scoped3A_8[%rem3A_332, %swap3A_782, %swap3A_783] : memref<2x32x1024xf32, #tpu.memory_space<vmem>> -> memref<1x32x1024xf32, #tpu.memory_space<vmem>>
          %swap3A_785 = tpu.memref_squeeze %swap3A_784 : memref<1x32x1024xf32, #tpu.memory_space<vmem>> -> memref<32x1024xf32, #tpu.memory_space<vmem>>
          %swap3A_786 = arith.index_cast %add3A_462 : i32 to index
          %swap3A_787 = arith.index_cast %add3A_773 : i32 to index
          %swap3A_788 = tpu.vector_load %swap3A_785[%swap3A_786, %swap3A_787] {strides = array<i32>} : memref<32x1024xf32, #tpu.memory_space<vmem>>, vector<1x16xf32>,
          %swap3A_789 = vector.shape_cast %swap3A_788 : vector<1x16xf32> to vector<1x16xf32>
          %swap3A_790 = vector.shape_cast %get3A_781 : vector<1x16xf32> to vector<1x16xf32>
          tpu.vector_store %swap3A_785[%swap3A_786, %swap3A_787], %swap3A_790 {strides = array<i32>} : memref<32x1024xf32, #tpu.memory_space<vmem>>, vector<1x16xf32>,
          %scan3A_791 = arith.constant 15 : i32
          %mul3A_792 = arith.constant 16 : i32
          %mul3A_793 = arith.muli %scan3A_791, %mul3A_792 : i32
          %add3A_794 = arith.constant 0 : i32
          %add3A_795 = arith.addi %add3A_794, %mul3A_793 : i32
          %get3A_796 = arith.constant 0 : i32
          %get3A_797 = arith.constant 0 : i32
          %get3A_798 = tpu.memref_slice %run_scoped3A[%rem3A_330, %get3A_796, %get3A_797] : memref<2x32x1024xf32, #tpu.memory_space<vmem>> -> memref<1x32x1024xf32, #tpu.memory_space<vmem>>
          %get3A_799 = tpu.memref_squeeze %get3A_798 : memref<1x32x1024xf32, #tpu.memory_space<vmem>> -> memref<32x1024xf32, #tpu.memory_space<vmem>>
          %get3A_800 = arith.index_cast %add3A_462 : i32 to index
          %get3A_801 = arith.index_cast %add3A_795 : i32 to index
          %get3A_802 = tpu.vector_load %get3A_799[%get3A_800, %get3A_801] {strides = array<i32>} : memref<32x1024xf32, #tpu.memory_space<vmem>>, vector<1x16xf32>,
          %get3A_803 = vector.shape_cast %get3A_802 : vector<1x16xf32> to vector<1x16xf32>
          %swap3A_804 = arith.constant 0 : i32
          %swap3A_805 = arith.constant 0 : i32
          %swap3A_806 = tpu.memref_slice %run_scoped3A_8[%rem3A_332, %swap3A_804, %swap3A_805] : memref<2x32x1024xf32, #tpu.memory_space<vmem>> -> memref<1x32x1024xf32, #tpu.memory_space<vmem>>
          %swap3A_807 = tpu.memref_squeeze %swap3A_806 : memref<1x32x1024xf32, #tpu.memory_space<vmem>> -> memref<32x1024xf32, #tpu.memory_space<vmem>>
          %swap3A_808 = arith.index_cast %add3A_462 : i32 to index
          %swap3A_809 = arith.index_cast %add3A_795 : i32 to index
          %swap3A_810 = tpu.vector_load %swap3A_807[%swap3A_808, %swap3A_809] {strides = array<i32>} : memref<32x1024xf32, #tpu.memory_space<vmem>>, vector<1x16xf32>,
          %swap3A_811 = vector.shape_cast %swap3A_810 : vector<1x16xf32> to vector<1x16xf32>
          %swap3A_812 = vector.shape_cast %get3A_803 : vector<1x16xf32> to vector<1x16xf32>
          tpu.vector_store %swap3A_807[%swap3A_808, %swap3A_809], %swap3A_812 {strides = array<i32>} : memref<32x1024xf32, #tpu.memory_space<vmem>>, vector<1x16xf32>,
          %scan3A_813 = arith.constant 16 : i32
          %mul3A_814 = arith.constant 16 : i32
          %mul3A_815 = arith.muli %scan3A_813, %mul3A_814 : i32
          %add3A_816 = arith.constant 0 : i32
          %add3A_817 = arith.addi %add3A_816, %mul3A_815 : i32
          %get3A_818 = arith.constant 0 : i32
          %get3A_819 = arith.constant 0 : i32
          %get3A_820 = tpu.memref_slice %run_scoped3A[%rem3A_330, %get3A_818, %get3A_819] : memref<2x32x1024xf32, #tpu.memory_space<vmem>> -> memref<1x32x1024xf32, #tpu.memory_space<vmem>>
          %get3A_821 = tpu.memref_squeeze %get3A_820 : memref<1x32x1024xf32, #tpu.memory_space<vmem>> -> memref<32x1024xf32, #tpu.memory_space<vmem>>
          %get3A_822 = arith.index_cast %add3A_462 : i32 to index
          %get3A_823 = arith.index_cast %add3A_817 : i32 to index
          %get3A_824 = tpu.vector_load %get3A_821[%get3A_822, %get3A_823] {strides = array<i32>} : memref<32x1024xf32, #tpu.memory_space<vmem>>, vector<1x16xf32>,
          %get3A_825 = vector.shape_cast %get3A_824 : vector<1x16xf32> to vector<1x16xf32>
          %swap3A_826 = arith.constant 0 : i32
          %swap3A_827 = arith.constant 0 : i32
          %swap3A_828 = tpu.memref_slice %run_scoped3A_8[%rem3A_332, %swap3A_826, %swap3A_827] : memref<2x32x1024xf32, #tpu.memory_space<vmem>> -> memref<1x32x1024xf32, #tpu.memory_space<vmem>>
          %swap3A_829 = tpu.memref_squeeze %swap3A_828 : memref<1x32x1024xf32, #tpu.memory_space<vmem>> -> memref<32x1024xf32, #tpu.memory_space<vmem>>
          %swap3A_830 = arith.index_cast %add3A_462 : i32 to index
          %swap3A_831 = arith.index_cast %add3A_817 : i32 to index
          %swap3A_832 = tpu.vector_load %swap3A_829[%swap3A_830, %swap3A_831] {strides = array<i32>} : memref<32x1024xf32, #tpu.memory_space<vmem>>, vector<1x16xf32>,
          %swap3A_833 = vector.shape_cast %swap3A_832 : vector<1x16xf32> to vector<1x16xf32>
          %swap3A_834 = vector.shape_cast %get3A_825 : vector<1x16xf32> to vector<1x16xf32>
          tpu.vector_store %swap3A_829[%swap3A_830, %swap3A_831], %swap3A_834 {strides = array<i32>} : memref<32x1024xf32, #tpu.memory_space<vmem>>, vector<1x16xf32>,
          %scan3A_835 = arith.constant 17 : i32
          %mul3A_836 = arith.constant 16 : i32
          %mul3A_837 = arith.muli %scan3A_835, %mul3A_836 : i32
          %add3A_838 = arith.constant 0 : i32
          %add3A_839 = arith.addi %add3A_838, %mul3A_837 : i32
          %get3A_840 = arith.constant 0 : i32
          %get3A_841 = arith.constant 0 : i32
          %get3A_842 = tpu.memref_slice %run_scoped3A[%rem3A_330, %get3A_840, %get3A_841] : memref<2x32x1024xf32, #tpu.memory_space<vmem>> -> memref<1x32x1024xf32, #tpu.memory_space<vmem>>
          %get3A_843 = tpu.memref_squeeze %get3A_842 : memref<1x32x1024xf32, #tpu.memory_space<vmem>> -> memref<32x1024xf32, #tpu.memory_space<vmem>>
          %get3A_844 = arith.index_cast %add3A_462 : i32 to index
          %get3A_845 = arith.index_cast %add3A_839 : i32 to index
          %get3A_846 = tpu.vector_load %get3A_843[%get3A_844, %get3A_845] {strides = array<i32>} : memref<32x1024xf32, #tpu.memory_space<vmem>>, vector<1x16xf32>,
          %get3A_847 = vector.shape_cast %get3A_846 : vector<1x16xf32> to vector<1x16xf32>
          %swap3A_848 = arith.constant 0 : i32
          %swap3A_849 = arith.constant 0 : i32
          %swap3A_850 = tpu.memref_slice %run_scoped3A_8[%rem3A_332, %swap3A_848, %swap3A_849] : memref<2x32x1024xf32, #tpu.memory_space<vmem>> -> memref<1x32x1024xf32, #tpu.memory_space<vmem>>
          %swap3A_851 = tpu.memref_squeeze %swap3A_850 : memref<1x32x1024xf32, #tpu.memory_space<vmem>> -> memref<32x1024xf32, #tpu.memory_space<vmem>>
          %swap3A_852 = arith.index_cast %add3A_462 : i32 to index
          %swap3A_853 = arith.index_cast %add3A_839 : i32 to index
          %swap3A_854 = tpu.vector_load %swap3A_851[%swap3A_852, %swap3A_853] {strides = array<i32>} : memref<32x1024xf32, #tpu.memory_space<vmem>>, vector<1x16xf32>,
          %swap3A_855 = vector.shape_cast %swap3A_854 : vector<1x16xf32> to vector<1x16xf32>
          %swap3A_856 = vector.shape_cast %get3A_847 : vector<1x16xf32> to vector<1x16xf32>
          tpu.vector_store %swap3A_851[%swap3A_852, %swap3A_853], %swap3A_856 {strides = array<i32>} : memref<32x1024xf32, #tpu.memory_space<vmem>>, vector<1x16xf32>,
          %scan3A_857 = arith.constant 18 : i32
          %mul3A_858 = arith.constant 16 : i32
          %mul3A_859 = arith.muli %scan3A_857, %mul3A_858 : i32
          %add3A_860 = arith.constant 0 : i32
          %add3A_861 = arith.addi %add3A_860, %mul3A_859 : i32
          %get3A_862 = arith.constant 0 : i32
          %get3A_863 = arith.constant 0 : i32
          %get3A_864 = tpu.memref_slice %run_scoped3A[%rem3A_330, %get3A_862, %get3A_863] : memref<2x32x1024xf32, #tpu.memory_space<vmem>> -> memref<1x32x1024xf32, #tpu.memory_space<vmem>>
          %get3A_865 = tpu.memref_squeeze %get3A_864 : memref<1x32x1024xf32, #tpu.memory_space<vmem>> -> memref<32x1024xf32, #tpu.memory_space<vmem>>
          %get3A_866 = arith.index_cast %add3A_462 : i32 to index
          %get3A_867 = arith.index_cast %add3A_861 : i32 to index
          %get3A_868 = tpu.vector_load %get3A_865[%get3A_866, %get3A_867] {strides = array<i32>} : memref<32x1024xf32, #tpu.memory_space<vmem>>, vector<1x16xf32>,
          %get3A_869 = vector.shape_cast %get3A_868 : vector<1x16xf32> to vector<1x16xf32>
          %swap3A_870 = arith.constant 0 : i32
          %swap3A_871 = arith.constant 0 : i32
          %swap3A_872 = tpu.memref_slice %run_scoped3A_8[%rem3A_332, %swap3A_870, %swap3A_871] : memref<2x32x1024xf32, #tpu.memory_space<vmem>> -> memref<1x32x1024xf32, #tpu.memory_space<vmem>>
          %swap3A_873 = tpu.memref_squeeze %swap3A_872 : memref<1x32x1024xf32, #tpu.memory_space<vmem>> -> memref<32x1024xf32, #tpu.memory_space<vmem>>
          %swap3A_874 = arith.index_cast %add3A_462 : i32 to index
          %swap3A_875 = arith.index_cast %add3A_861 : i32 to index
          %swap3A_876 = tpu.vector_load %swap3A_873[%swap3A_874, %swap3A_875] {strides = array<i32>} : memref<32x1024xf32, #tpu.memory_space<vmem>>, vector<1x16xf32>,
          %swap3A_877 = vector.shape_cast %swap3A_876 : vector<1x16xf32> to vector<1x16xf32>
          %swap3A_878 = vector.shape_cast %get3A_869 : vector<1x16xf32> to vector<1x16xf32>
          tpu.vector_store %swap3A_873[%swap3A_874, %swap3A_875], %swap3A_878 {strides = array<i32>} : memref<32x1024xf32, #tpu.memory_space<vmem>>, vector<1x16xf32>,
          %scan3A_879 = arith.constant 19 : i32
          %mul3A_880 = arith.constant 16 : i32
          %mul3A_881 = arith.muli %scan3A_879, %mul3A_880 : i32
          %add3A_882 = arith.constant 0 : i32
          %add3A_883 = arith.addi %add3A_882, %mul3A_881 : i32
          %get3A_884 = arith.constant 0 : i32
          %get3A_885 = arith.constant 0 : i32
          %get3A_886 = tpu.memref_slice %run_scoped3A[%rem3A_330, %get3A_884, %get3A_885] : memref<2x32x1024xf32, #tpu.memory_space<vmem>> -> memref<1x32x1024xf32, #tpu.memory_space<vmem>>
          %get3A_887 = tpu.memref_squeeze %get3A_886 : memref<1x32x1024xf32, #tpu.memory_space<vmem>> -> memref<32x1024xf32, #tpu.memory_space<vmem>>
          %get3A_888 = arith.index_cast %add3A_462 : i32 to index
          %get3A_889 = arith.index_cast %add3A_883 : i32 to index
          %get3A_890 = tpu.vector_load %get3A_887[%get3A_888, %get3A_889] {strides = array<i32>} : memref<32x1024xf32, #tpu.memory_space<vmem>>, vector<1x16xf32>,
          %get3A_891 = vector.shape_cast %get3A_890 : vector<1x16xf32> to vector<1x16xf32>
          %swap3A_892 = arith.constant 0 : i32
          %swap3A_893 = arith.constant 0 : i32
          %swap3A_894 = tpu.memref_slice %run_scoped3A_8[%rem3A_332, %swap3A_892, %swap3A_893] : memref<2x32x1024xf32, #tpu.memory_space<vmem>> -> memref<1x32x1024xf32, #tpu.memory_space<vmem>>
          %swap3A_895 = tpu.memref_squeeze %swap3A_894 : memref<1x32x1024xf32, #tpu.memory_space<vmem>> -> memref<32x1024xf32, #tpu.memory_space<vmem>>
          %swap3A_896 = arith.index_cast %add3A_462 : i32 to index
          %swap3A_897 = arith.index_cast %add3A_883 : i32 to index
          %swap3A_898 = tpu.vector_load %swap3A_895[%swap3A_896, %swap3A_897] {strides = array<i32>} : memref<32x1024xf32, #tpu.memory_space<vmem>>, vector<1x16xf32>,
          %swap3A_899 = vector.shape_cast %swap3A_898 : vector<1x16xf32> to vector<1x16xf32>
          %swap3A_900 = vector.shape_cast %get3A_891 : vector<1x16xf32> to vector<1x16xf32>
          tpu.vector_store %swap3A_895[%swap3A_896, %swap3A_897], %swap3A_900 {strides = array<i32>} : memref<32x1024xf32, #tpu.memory_space<vmem>>, vector<1x16xf32>,
          %scan3A_901 = arith.constant 20 : i32
          %mul3A_902 = arith.constant 16 : i32
          %mul3A_903 = arith.muli %scan3A_901, %mul3A_902 : i32
          %add3A_904 = arith.constant 0 : i32
          %add3A_905 = arith.addi %add3A_904, %mul3A_903 : i32
          %get3A_906 = arith.constant 0 : i32
          %get3A_907 = arith.constant 0 : i32
          %get3A_908 = tpu.memref_slice %run_scoped3A[%rem3A_330, %get3A_906, %get3A_907] : memref<2x32x1024xf32, #tpu.memory_space<vmem>> -> memref<1x32x1024xf32, #tpu.memory_space<vmem>>
          %get3A_909 = tpu.memref_squeeze %get3A_908 : memref<1x32x1024xf32, #tpu.memory_space<vmem>> -> memref<32x1024xf32, #tpu.memory_space<vmem>>
          %get3A_910 = arith.index_cast %add3A_462 : i32 to index
          %get3A_911 = arith.index_cast %add3A_905 : i32 to index
          %get3A_912 = tpu.vector_load %get3A_909[%get3A_910, %get3A_911] {strides = array<i32>} : memref<32x1024xf32, #tpu.memory_space<vmem>>, vector<1x16xf32>,
          %get3A_913 = vector.shape_cast %get3A_912 : vector<1x16xf32> to vector<1x16xf32>
          %swap3A_914 = arith.constant 0 : i32
          %swap3A_915 = arith.constant 0 : i32
          %swap3A_916 = tpu.memref_slice %run_scoped3A_8[%rem3A_332, %swap3A_914, %swap3A_915] : memref<2x32x1024xf32, #tpu.memory_space<vmem>> -> memref<1x32x1024xf32, #tpu.memory_space<vmem>>
          %swap3A_917 = tpu.memref_squeeze %swap3A_916 : memref<1x32x1024xf32, #tpu.memory_space<vmem>> -> memref<32x1024xf32, #tpu.memory_space<vmem>>
          %swap3A_918 = arith.index_cast %add3A_462 : i32 to index
          %swap3A_919 = arith.index_cast %add3A_905 : i32 to index
          %swap3A_920 = tpu.vector_load %swap3A_917[%swap3A_918, %swap3A_919] {strides = array<i32>} : memref<32x1024xf32, #tpu.memory_space<vmem>>, vector<1x16xf32>,
          %swap3A_921 = vector.shape_cast %swap3A_920 : vector<1x16xf32> to vector<1x16xf32>
          %swap3A_922 = vector.shape_cast %get3A_913 : vector<1x16xf32> to vector<1x16xf32>
          tpu.vector_store %swap3A_917[%swap3A_918, %swap3A_919], %swap3A_922 {strides = array<i32>} : memref<32x1024xf32, #tpu.memory_space<vmem>>, vector<1x16xf32>,
          %scan3A_923 = arith.constant 21 : i32
          %mul3A_924 = arith.constant 16 : i32
          %mul3A_925 = arith.muli %scan3A_923, %mul3A_924 : i32
          %add3A_926 = arith.constant 0 : i32
          %add3A_927 = arith.addi %add3A_926, %mul3A_925 : i32
          %get3A_928 = arith.constant 0 : i32
          %get3A_929 = arith.constant 0 : i32
          %get3A_930 = tpu.memref_slice %run_scoped3A[%rem3A_330, %get3A_928, %get3A_929] : memref<2x32x1024xf32, #tpu.memory_space<vmem>> -> memref<1x32x1024xf32, #tpu.memory_space<vmem>>
          %get3A_931 = tpu.memref_squeeze %get3A_930 : memref<1x32x1024xf32, #tpu.memory_space<vmem>> -> memref<32x1024xf32, #tpu.memory_space<vmem>>
          %get3A_932 = arith.index_cast %add3A_462 : i32 to index
          %get3A_933 = arith.index_cast %add3A_927 : i32 to index
          %get3A_934 = tpu.vector_load %get3A_931[%get3A_932, %get3A_933] {strides = array<i32>} : memref<32x1024xf32, #tpu.memory_space<vmem>>, vector<1x16xf32>,
          %get3A_935 = vector.shape_cast %get3A_934 : vector<1x16xf32> to vector<1x16xf32>
          %swap3A_936 = arith.constant 0 : i32
          %swap3A_937 = arith.constant 0 : i32
          %swap3A_938 = tpu.memref_slice %run_scoped3A_8[%rem3A_332, %swap3A_936, %swap3A_937] : memref<2x32x1024xf32, #tpu.memory_space<vmem>> -> memref<1x32x1024xf32, #tpu.memory_space<vmem>>
          %swap3A_939 = tpu.memref_squeeze %swap3A_938 : memref<1x32x1024xf32, #tpu.memory_space<vmem>> -> memref<32x1024xf32, #tpu.memory_space<vmem>>
          %swap3A_940 = arith.index_cast %add3A_462 : i32 to index
          %swap3A_941 = arith.index_cast %add3A_927 : i32 to index
          %swap3A_942 = tpu.vector_load %swap3A_939[%swap3A_940, %swap3A_941] {strides = array<i32>} : memref<32x1024xf32, #tpu.memory_space<vmem>>, vector<1x16xf32>,
          %swap3A_943 = vector.shape_cast %swap3A_942 : vector<1x16xf32> to vector<1x16xf32>
          %swap3A_944 = vector.shape_cast %get3A_935 : vector<1x16xf32> to vector<1x16xf32>
          tpu.vector_store %swap3A_939[%swap3A_940, %swap3A_941], %swap3A_944 {strides = array<i32>} : memref<32x1024xf32, #tpu.memory_space<vmem>>, vector<1x16xf32>,
          %scan3A_945 = arith.constant 22 : i32
          %mul3A_946 = arith.constant 16 : i32
          %mul3A_947 = arith.muli %scan3A_945, %mul3A_946 : i32
          %add3A_948 = arith.constant 0 : i32
          %add3A_949 = arith.addi %add3A_948, %mul3A_947 : i32
          %get3A_950 = arith.constant 0 : i32
          %get3A_951 = arith.constant 0 : i32
          %get3A_952 = tpu.memref_slice %run_scoped3A[%rem3A_330, %get3A_950, %get3A_951] : memref<2x32x1024xf32, #tpu.memory_space<vmem>> -> memref<1x32x1024xf32, #tpu.memory_space<vmem>>
          %get3A_953 = tpu.memref_squeeze %get3A_952 : memref<1x32x1024xf32, #tpu.memory_space<vmem>> -> memref<32x1024xf32, #tpu.memory_space<vmem>>
          %get3A_954 = arith.index_cast %add3A_462 : i32 to index
          %get3A_955 = arith.index_cast %add3A_949 : i32 to index
          %get3A_956 = tpu.vector_load %get3A_953[%get3A_954, %get3A_955] {strides = array<i32>} : memref<32x1024xf32, #tpu.memory_space<vmem>>, vector<1x16xf32>,
          %get3A_957 = vector.shape_cast %get3A_956 : vector<1x16xf32> to vector<1x16xf32>
          %swap3A_958 = arith.constant 0 : i32
          %swap3A_959 = arith.constant 0 : i32
          %swap3A_960 = tpu.memref_slice %run_scoped3A_8[%rem3A_332, %swap3A_958, %swap3A_959] : memref<2x32x1024xf32, #tpu.memory_space<vmem>> -> memref<1x32x1024xf32, #tpu.memory_space<vmem>>
          %swap3A_961 = tpu.memref_squeeze %swap3A_960 : memref<1x32x1024xf32, #tpu.memory_space<vmem>> -> memref<32x1024xf32, #tpu.memory_space<vmem>>
          %swap3A_962 = arith.index_cast %add3A_462 : i32 to index
          %swap3A_963 = arith.index_cast %add3A_949 : i32 to index
          %swap3A_964 = tpu.vector_load %swap3A_961[%swap3A_962, %swap3A_963] {strides = array<i32>} : memref<32x1024xf32, #tpu.memory_space<vmem>>, vector<1x16xf32>,
          %swap3A_965 = vector.shape_cast %swap3A_964 : vector<1x16xf32> to vector<1x16xf32>
          %swap3A_966 = vector.shape_cast %get3A_957 : vector<1x16xf32> to vector<1x16xf32>
          tpu.vector_store %swap3A_961[%swap3A_962, %swap3A_963], %swap3A_966 {strides = array<i32>} : memref<32x1024xf32, #tpu.memory_space<vmem>>, vector<1x16xf32>,
          %scan3A_967 = arith.constant 23 : i32
          %mul3A_968 = arith.constant 16 : i32
          %mul3A_969 = arith.muli %scan3A_967, %mul3A_968 : i32
          %add3A_970 = arith.constant 0 : i32
          %add3A_971 = arith.addi %add3A_970, %mul3A_969 : i32
          %get3A_972 = arith.constant 0 : i32
          %get3A_973 = arith.constant 0 : i32
          %get3A_974 = tpu.memref_slice %run_scoped3A[%rem3A_330, %get3A_972, %get3A_973] : memref<2x32x1024xf32, #tpu.memory_space<vmem>> -> memref<1x32x1024xf32, #tpu.memory_space<vmem>>
          %get3A_975 = tpu.memref_squeeze %get3A_974 : memref<1x32x1024xf32, #tpu.memory_space<vmem>> -> memref<32x1024xf32, #tpu.memory_space<vmem>>
          %get3A_976 = arith.index_cast %add3A_462 : i32 to index
          %get3A_977 = arith.index_cast %add3A_971 : i32 to index
          %get3A_978 = tpu.vector_load %get3A_975[%get3A_976, %get3A_977] {strides = array<i32>} : memref<32x1024xf32, #tpu.memory_space<vmem>>, vector<1x16xf32>,
          %get3A_979 = vector.shape_cast %get3A_978 : vector<1x16xf32> to vector<1x16xf32>
          %swap3A_980 = arith.constant 0 : i32
          %swap3A_981 = arith.constant 0 : i32
          %swap3A_982 = tpu.memref_slice %run_scoped3A_8[%rem3A_332, %swap3A_980, %swap3A_981] : memref<2x32x1024xf32, #tpu.memory_space<vmem>> -> memref<1x32x1024xf32, #tpu.memory_space<vmem>>
          %swap3A_983 = tpu.memref_squeeze %swap3A_982 : memref<1x32x1024xf32, #tpu.memory_space<vmem>> -> memref<32x1024xf32, #tpu.memory_space<vmem>>
          %swap3A_984 = arith.index_cast %add3A_462 : i32 to index
          %swap3A_985 = arith.index_cast %add3A_971 : i32 to index
          %swap3A_986 = tpu.vector_load %swap3A_983[%swap3A_984, %swap3A_985] {strides = array<i32>} : memref<32x1024xf32, #tpu.memory_space<vmem>>, vector<1x16xf32>,
          %swap3A_987 = vector.shape_cast %swap3A_986 : vector<1x16xf32> to vector<1x16xf32>
          %swap3A_988 = vector.shape_cast %get3A_979 : vector<1x16xf32> to vector<1x16xf32>
          tpu.vector_store %swap3A_983[%swap3A_984, %swap3A_985], %swap3A_988 {strides = array<i32>} : memref<32x1024xf32, #tpu.memory_space<vmem>>, vector<1x16xf32>,
          %scan3A_989 = arith.constant 24 : i32
          %mul3A_990 = arith.constant 16 : i32
          %mul3A_991 = arith.muli %scan3A_989, %mul3A_990 : i32
          %add3A_992 = arith.constant 0 : i32
          %add3A_993 = arith.addi %add3A_992, %mul3A_991 : i32
          %get3A_994 = arith.constant 0 : i32
          %get3A_995 = arith.constant 0 : i32
          %get3A_996 = tpu.memref_slice %run_scoped3A[%rem3A_330, %get3A_994, %get3A_995] : memref<2x32x1024xf32, #tpu.memory_space<vmem>> -> memref<1x32x1024xf32, #tpu.memory_space<vmem>>
          %get3A_997 = tpu.memref_squeeze %get3A_996 : memref<1x32x1024xf32, #tpu.memory_space<vmem>> -> memref<32x1024xf32, #tpu.memory_space<vmem>>
          %get3A_998 = arith.index_cast %add3A_462 : i32 to index
          %get3A_999 = arith.index_cast %add3A_993 : i32 to index
          %get3A_1000 = tpu.vector_load %get3A_997[%get3A_998, %get3A_999] {strides = array<i32>} : memref<32x1024xf32, #tpu.memory_space<vmem>>, vector<1x16xf32>,
          %get3A_1001 = vector.shape_cast %get3A_1000 : vector<1x16xf32> to vector<1x16xf32>
          %swap3A_1002 = arith.constant 0 : i32
          %swap3A_1003 = arith.constant 0 : i32
          %swap3A_1004 = tpu.memref_slice %run_scoped3A_8[%rem3A_332, %swap3A_1002, %swap3A_1003] : memref<2x32x1024xf32, #tpu.memory_space<vmem>> -> memref<1x32x1024xf32, #tpu.memory_space<vmem>>
          %swap3A_1005 = tpu.memref_squeeze %swap3A_1004 : memref<1x32x1024xf32, #tpu.memory_space<vmem>> -> memref<32x1024xf32, #tpu.memory_space<vmem>>
          %swap3A_1006 = arith.index_cast %add3A_462 : i32 to index
          %swap3A_1007 = arith.index_cast %add3A_993 : i32 to index
          %swap3A_1008 = tpu.vector_load %swap3A_1005[%swap3A_1006, %swap3A_1007] {strides = array<i32>} : memref<32x1024xf32, #tpu.memory_space<vmem>>, vector<1x16xf32>,
          %swap3A_1009 = vector.shape_cast %swap3A_1008 : vector<1x16xf32> to vector<1x16xf32>
          %swap3A_1010 = vector.shape_cast %get3A_1001 : vector<1x16xf32> to vector<1x16xf32>
          tpu.vector_store %swap3A_1005[%swap3A_1006, %swap3A_1007], %swap3A_1010 {strides = array<i32>} : memref<32x1024xf32, #tpu.memory_space<vmem>>, vector<1x16xf32>,
          %scan3A_1011 = arith.constant 25 : i32
          %mul3A_1012 = arith.constant 16 : i32
          %mul3A_1013 = arith.muli %scan3A_1011, %mul3A_1012 : i32
          %add3A_1014 = arith.constant 0 : i32
          %add3A_1015 = arith.addi %add3A_1014, %mul3A_1013 : i32
          %get3A_1016 = arith.constant 0 : i32
          %get3A_1017 = arith.constant 0 : i32
          %get3A_1018 = tpu.memref_slice %run_scoped3A[%rem3A_330, %get3A_1016, %get3A_1017] : memref<2x32x1024xf32, #tpu.memory_space<vmem>> -> memref<1x32x1024xf32, #tpu.memory_space<vmem>>
          %get3A_1019 = tpu.memref_squeeze %get3A_1018 : memref<1x32x1024xf32, #tpu.memory_space<vmem>> -> memref<32x1024xf32, #tpu.memory_space<vmem>>
          %get3A_1020 = arith.index_cast %add3A_462 : i32 to index
          %get3A_1021 = arith.index_cast %add3A_1015 : i32 to index
          %get3A_1022 = tpu.vector_load %get3A_1019[%get3A_1020, %get3A_1021] {strides = array<i32>} : memref<32x1024xf32, #tpu.memory_space<vmem>>, vector<1x16xf32>,
          %get3A_1023 = vector.shape_cast %get3A_1022 : vector<1x16xf32> to vector<1x16xf32>
          %swap3A_1024 = arith.constant 0 : i32
          %swap3A_1025 = arith.constant 0 : i32
          %swap3A_1026 = tpu.memref_slice %run_scoped3A_8[%rem3A_332, %swap3A_1024, %swap3A_1025] : memref<2x32x1024xf32, #tpu.memory_space<vmem>> -> memref<1x32x1024xf32, #tpu.memory_space<vmem>>
          %swap3A_1027 = tpu.memref_squeeze %swap3A_1026 : memref<1x32x1024xf32, #tpu.memory_space<vmem>> -> memref<32x1024xf32, #tpu.memory_space<vmem>>
          %swap3A_1028 = arith.index_cast %add3A_462 : i32 to index
          %swap3A_1029 = arith.index_cast %add3A_1015 : i32 to index
          %swap3A_1030 = tpu.vector_load %swap3A_1027[%swap3A_1028, %swap3A_1029] {strides = array<i32>} : memref<32x1024xf32, #tpu.memory_space<vmem>>, vector<1x16xf32>,
          %swap3A_1031 = vector.shape_cast %swap3A_1030 : vector<1x16xf32> to vector<1x16xf32>
          %swap3A_1032 = vector.shape_cast %get3A_1023 : vector<1x16xf32> to vector<1x16xf32>
          tpu.vector_store %swap3A_1027[%swap3A_1028, %swap3A_1029], %swap3A_1032 {strides = array<i32>} : memref<32x1024xf32, #tpu.memory_space<vmem>>, vector<1x16xf32>,
          %scan3A_1033 = arith.constant 26 : i32
          %mul3A_1034 = arith.constant 16 : i32
          %mul3A_1035 = arith.muli %scan3A_1033, %mul3A_1034 : i32
          %add3A_1036 = arith.constant 0 : i32
          %add3A_1037 = arith.addi %add3A_1036, %mul3A_1035 : i32
          %get3A_1038 = arith.constant 0 : i32
          %get3A_1039 = arith.constant 0 : i32
          %get3A_1040 = tpu.memref_slice %run_scoped3A[%rem3A_330, %get3A_1038, %get3A_1039] : memref<2x32x1024xf32, #tpu.memory_space<vmem>> -> memref<1x32x1024xf32, #tpu.memory_space<vmem>>
          %get3A_1041 = tpu.memref_squeeze %get3A_1040 : memref<1x32x1024xf32, #tpu.memory_space<vmem>> -> memref<32x1024xf32, #tpu.memory_space<vmem>>
          %get3A_1042 = arith.index_cast %add3A_462 : i32 to index
          %get3A_1043 = arith.index_cast %add3A_1037 : i32 to index
          %get3A_1044 = tpu.vector_load %get3A_1041[%get3A_1042, %get3A_1043] {strides = array<i32>} : memref<32x1024xf32, #tpu.memory_space<vmem>>, vector<1x16xf32>,
          %get3A_1045 = vector.shape_cast %get3A_1044 : vector<1x16xf32> to vector<1x16xf32>
          %swap3A_1046 = arith.constant 0 : i32
          %swap3A_1047 = arith.constant 0 : i32
          %swap3A_1048 = tpu.memref_slice %run_scoped3A_8[%rem3A_332, %swap3A_1046, %swap3A_1047] : memref<2x32x1024xf32, #tpu.memory_space<vmem>> -> memref<1x32x1024xf32, #tpu.memory_space<vmem>>
          %swap3A_1049 = tpu.memref_squeeze %swap3A_1048 : memref<1x32x1024xf32, #tpu.memory_space<vmem>> -> memref<32x1024xf32, #tpu.memory_space<vmem>>
          %swap3A_1050 = arith.index_cast %add3A_462 : i32 to index
          %swap3A_1051 = arith.index_cast %add3A_1037 : i32 to index
          %swap3A_1052 = tpu.vector_load %swap3A_1049[%swap3A_1050, %swap3A_1051] {strides = array<i32>} : memref<32x1024xf32, #tpu.memory_space<vmem>>, vector<1x16xf32>,
          %swap3A_1053 = vector.shape_cast %swap3A_1052 : vector<1x16xf32> to vector<1x16xf32>
          %swap3A_1054 = vector.shape_cast %get3A_1045 : vector<1x16xf32> to vector<1x16xf32>
          tpu.vector_store %swap3A_1049[%swap3A_1050, %swap3A_1051], %swap3A_1054 {strides = array<i32>} : memref<32x1024xf32, #tpu.memory_space<vmem>>, vector<1x16xf32>,
          %scan3A_1055 = arith.constant 27 : i32
          %mul3A_1056 = arith.constant 16 : i32
          %mul3A_1057 = arith.muli %scan3A_1055, %mul3A_1056 : i32
          %add3A_1058 = arith.constant 0 : i32
          %add3A_1059 = arith.addi %add3A_1058, %mul3A_1057 : i32
          %get3A_1060 = arith.constant 0 : i32
          %get3A_1061 = arith.constant 0 : i32
          %get3A_1062 = tpu.memref_slice %run_scoped3A[%rem3A_330, %get3A_1060, %get3A_1061] : memref<2x32x1024xf32, #tpu.memory_space<vmem>> -> memref<1x32x1024xf32, #tpu.memory_space<vmem>>
          %get3A_1063 = tpu.memref_squeeze %get3A_1062 : memref<1x32x1024xf32, #tpu.memory_space<vmem>> -> memref<32x1024xf32, #tpu.memory_space<vmem>>
          %get3A_1064 = arith.index_cast %add3A_462 : i32 to index
          %get3A_1065 = arith.index_cast %add3A_1059 : i32 to index
          %get3A_1066 = tpu.vector_load %get3A_1063[%get3A_1064, %get3A_1065] {strides = array<i32>} : memref<32x1024xf32, #tpu.memory_space<vmem>>, vector<1x16xf32>,
          %get3A_1067 = vector.shape_cast %get3A_1066 : vector<1x16xf32> to vector<1x16xf32>
          %swap3A_1068 = arith.constant 0 : i32
          %swap3A_1069 = arith.constant 0 : i32
          %swap3A_1070 = tpu.memref_slice %run_scoped3A_8[%rem3A_332, %swap3A_1068, %swap3A_1069] : memref<2x32x1024xf32, #tpu.memory_space<vmem>> -> memref<1x32x1024xf32, #tpu.memory_space<vmem>>
          %swap3A_1071 = tpu.memref_squeeze %swap3A_1070 : memref<1x32x1024xf32, #tpu.memory_space<vmem>> -> memref<32x1024xf32, #tpu.memory_space<vmem>>
          %swap3A_1072 = arith.index_cast %add3A_462 : i32 to index
          %swap3A_1073 = arith.index_cast %add3A_1059 : i32 to index
          %swap3A_1074 = tpu.vector_load %swap3A_1071[%swap3A_1072, %swap3A_1073] {strides = array<i32>} : memref<32x1024xf32, #tpu.memory_space<vmem>>, vector<1x16xf32>,
          %swap3A_1075 = vector.shape_cast %swap3A_1074 : vector<1x16xf32> to vector<1x16xf32>
          %swap3A_1076 = vector.shape_cast %get3A_1067 : vector<1x16xf32> to vector<1x16xf32>
          tpu.vector_store %swap3A_1071[%swap3A_1072, %swap3A_1073], %swap3A_1076 {strides = array<i32>} : memref<32x1024xf32, #tpu.memory_space<vmem>>, vector<1x16xf32>,
          %scan3A_1077 = arith.constant 28 : i32
          %mul3A_1078 = arith.constant 16 : i32
          %mul3A_1079 = arith.muli %scan3A_1077, %mul3A_1078 : i32
          %add3A_1080 = arith.constant 0 : i32
          %add3A_1081 = arith.addi %add3A_1080, %mul3A_1079 : i32
          %get3A_1082 = arith.constant 0 : i32
          %get3A_1083 = arith.constant 0 : i32
          %get3A_1084 = tpu.memref_slice %run_scoped3A[%rem3A_330, %get3A_1082, %get3A_1083] : memref<2x32x1024xf32, #tpu.memory_space<vmem>> -> memref<1x32x1024xf32, #tpu.memory_space<vmem>>
          %get3A_1085 = tpu.memref_squeeze %get3A_1084 : memref<1x32x1024xf32, #tpu.memory_space<vmem>> -> memref<32x1024xf32, #tpu.memory_space<vmem>>
          %get3A_1086 = arith.index_cast %add3A_462 : i32 to index
          %get3A_1087 = arith.index_cast %add3A_1081 : i32 to index
          %get3A_1088 = tpu.vector_load %get3A_1085[%get3A_1086, %get3A_1087] {strides = array<i32>} : memref<32x1024xf32, #tpu.memory_space<vmem>>, vector<1x16xf32>,
          %get3A_1089 = vector.shape_cast %get3A_1088 : vector<1x16xf32> to vector<1x16xf32>
          %swap3A_1090 = arith.constant 0 : i32
          %swap3A_1091 = arith.constant 0 : i32
          %swap3A_1092 = tpu.memref_slice %run_scoped3A_8[%rem3A_332, %swap3A_1090, %swap3A_1091] : memref<2x32x1024xf32, #tpu.memory_space<vmem>> -> memref<1x32x1024xf32, #tpu.memory_space<vmem>>
          %swap3A_1093 = tpu.memref_squeeze %swap3A_1092 : memref<1x32x1024xf32, #tpu.memory_space<vmem>> -> memref<32x1024xf32, #tpu.memory_space<vmem>>
          %swap3A_1094 = arith.index_cast %add3A_462 : i32 to index
          %swap3A_1095 = arith.index_cast %add3A_1081 : i32 to index
          %swap3A_1096 = tpu.vector_load %swap3A_1093[%swap3A_1094, %swap3A_1095] {strides = array<i32>} : memref<32x1024xf32, #tpu.memory_space<vmem>>, vector<1x16xf32>,
          %swap3A_1097 = vector.shape_cast %swap3A_1096 : vector<1x16xf32> to vector<1x16xf32>
          %swap3A_1098 = vector.shape_cast %get3A_1089 : vector<1x16xf32> to vector<1x16xf32>
          tpu.vector_store %swap3A_1093[%swap3A_1094, %swap3A_1095], %swap3A_1098 {strides = array<i32>} : memref<32x1024xf32, #tpu.memory_space<vmem>>, vector<1x16xf32>,
          %scan3A_1099 = arith.constant 29 : i32
          %mul3A_1100 = arith.constant 16 : i32
          %mul3A_1101 = arith.muli %scan3A_1099, %mul3A_1100 : i32
          %add3A_1102 = arith.constant 0 : i32
          %add3A_1103 = arith.addi %add3A_1102, %mul3A_1101 : i32
          %get3A_1104 = arith.constant 0 : i32
          %get3A_1105 = arith.constant 0 : i32
          %get3A_1106 = tpu.memref_slice %run_scoped3A[%rem3A_330, %get3A_1104, %get3A_1105] : memref<2x32x1024xf32, #tpu.memory_space<vmem>> -> memref<1x32x1024xf32, #tpu.memory_space<vmem>>
          %get3A_1107 = tpu.memref_squeeze %get3A_1106 : memref<1x32x1024xf32, #tpu.memory_space<vmem>> -> memref<32x1024xf32, #tpu.memory_space<vmem>>
          %get3A_1108 = arith.index_cast %add3A_462 : i32 to index
          %get3A_1109 = arith.index_cast %add3A_1103 : i32 to index
          %get3A_1110 = tpu.vector_load %get3A_1107[%get3A_1108, %get3A_1109] {strides = array<i32>} : memref<32x1024xf32, #tpu.memory_space<vmem>>, vector<1x16xf32>,
          %get3A_1111 = vector.shape_cast %get3A_1110 : vector<1x16xf32> to vector<1x16xf32>
          %swap3A_1112 = arith.constant 0 : i32
          %swap3A_1113 = arith.constant 0 : i32
          %swap3A_1114 = tpu.memref_slice %run_scoped3A_8[%rem3A_332, %swap3A_1112, %swap3A_1113] : memref<2x32x1024xf32, #tpu.memory_space<vmem>> -> memref<1x32x1024xf32, #tpu.memory_space<vmem>>
          %swap3A_1115 = tpu.memref_squeeze %swap3A_1114 : memref<1x32x1024xf32, #tpu.memory_space<vmem>> -> memref<32x1024xf32, #tpu.memory_space<vmem>>
          %swap3A_1116 = arith.index_cast %add3A_462 : i32 to index
          %swap3A_1117 = arith.index_cast %add3A_1103 : i32 to index
          %swap3A_1118 = tpu.vector_load %swap3A_1115[%swap3A_1116, %swap3A_1117] {strides = array<i32>} : memref<32x1024xf32, #tpu.memory_space<vmem>>, vector<1x16xf32>,
          %swap3A_1119 = vector.shape_cast %swap3A_1118 : vector<1x16xf32> to vector<1x16xf32>
          %swap3A_1120 = vector.shape_cast %get3A_1111 : vector<1x16xf32> to vector<1x16xf32>
          tpu.vector_store %swap3A_1115[%swap3A_1116, %swap3A_1117], %swap3A_1120 {strides = array<i32>} : memref<32x1024xf32, #tpu.memory_space<vmem>>, vector<1x16xf32>,
          %scan3A_1121 = arith.constant 30 : i32
          %mul3A_1122 = arith.constant 16 : i32
          %mul3A_1123 = arith.muli %scan3A_1121, %mul3A_1122 : i32
          %add3A_1124 = arith.constant 0 : i32
          %add3A_1125 = arith.addi %add3A_1124, %mul3A_1123 : i32
          %get3A_1126 = arith.constant 0 : i32
          %get3A_1127 = arith.constant 0 : i32
          %get3A_1128 = tpu.memref_slice %run_scoped3A[%rem3A_330, %get3A_1126, %get3A_1127] : memref<2x32x1024xf32, #tpu.memory_space<vmem>> -> memref<1x32x1024xf32, #tpu.memory_space<vmem>>
          %get3A_1129 = tpu.memref_squeeze %get3A_1128 : memref<1x32x1024xf32, #tpu.memory_space<vmem>> -> memref<32x1024xf32, #tpu.memory_space<vmem>>
          %get3A_1130 = arith.index_cast %add3A_462 : i32 to index
          %get3A_1131 = arith.index_cast %add3A_1125 : i32 to index
          %get3A_1132 = tpu.vector_load %get3A_1129[%get3A_1130, %get3A_1131] {strides = array<i32>} : memref<32x1024xf32, #tpu.memory_space<vmem>>, vector<1x16xf32>,
          %get3A_1133 = vector.shape_cast %get3A_1132 : vector<1x16xf32> to vector<1x16xf32>
          %swap3A_1134 = arith.constant 0 : i32
          %swap3A_1135 = arith.constant 0 : i32
          %swap3A_1136 = tpu.memref_slice %run_scoped3A_8[%rem3A_332, %swap3A_1134, %swap3A_1135] : memref<2x32x1024xf32, #tpu.memory_space<vmem>> -> memref<1x32x1024xf32, #tpu.memory_space<vmem>>
          %swap3A_1137 = tpu.memref_squeeze %swap3A_1136 : memref<1x32x1024xf32, #tpu.memory_space<vmem>> -> memref<32x1024xf32, #tpu.memory_space<vmem>>
          %swap3A_1138 = arith.index_cast %add3A_462 : i32 to index
          %swap3A_1139 = arith.index_cast %add3A_1125 : i32 to index
          %swap3A_1140 = tpu.vector_load %swap3A_1137[%swap3A_1138, %swap3A_1139] {strides = array<i32>} : memref<32x1024xf32, #tpu.memory_space<vmem>>, vector<1x16xf32>,
          %swap3A_1141 = vector.shape_cast %swap3A_1140 : vector<1x16xf32> to vector<1x16xf32>
          %swap3A_1142 = vector.shape_cast %get3A_1133 : vector<1x16xf32> to vector<1x16xf32>
          tpu.vector_store %swap3A_1137[%swap3A_1138, %swap3A_1139], %swap3A_1142 {strides = array<i32>} : memref<32x1024xf32, #tpu.memory_space<vmem>>, vector<1x16xf32>,
          %scan3A_1143 = arith.constant 31 : i32
          %mul3A_1144 = arith.constant 16 : i32
          %mul3A_1145 = arith.muli %scan3A_1143, %mul3A_1144 : i32
          %add3A_1146 = arith.constant 0 : i32
          %add3A_1147 = arith.addi %add3A_1146, %mul3A_1145 : i32
          %get3A_1148 = arith.constant 0 : i32
          %get3A_1149 = arith.constant 0 : i32
          %get3A_1150 = tpu.memref_slice %run_scoped3A[%rem3A_330, %get3A_1148, %get3A_1149] : memref<2x32x1024xf32, #tpu.memory_space<vmem>> -> memref<1x32x1024xf32, #tpu.memory_space<vmem>>
          %get3A_1151 = tpu.memref_squeeze %get3A_1150 : memref<1x32x1024xf32, #tpu.memory_space<vmem>> -> memref<32x1024xf32, #tpu.memory_space<vmem>>
          %get3A_1152 = arith.index_cast %add3A_462 : i32 to index
          %get3A_1153 = arith.index_cast %add3A_1147 : i32 to index
          %get3A_1154 = tpu.vector_load %get3A_1151[%get3A_1152, %get3A_1153] {strides = array<i32>} : memref<32x1024xf32, #tpu.memory_space<vmem>>, vector<1x16xf32>,
          %get3A_1155 = vector.shape_cast %get3A_1154 : vector<1x16xf32> to vector<1x16xf32>
          %swap3A_1156 = arith.constant 0 : i32
          %swap3A_1157 = arith.constant 0 : i32
          %swap3A_1158 = tpu.memref_slice %run_scoped3A_8[%rem3A_332, %swap3A_1156, %swap3A_1157] : memref<2x32x1024xf32, #tpu.memory_space<vmem>> -> memref<1x32x1024xf32, #tpu.memory_space<vmem>>
          %swap3A_1159 = tpu.memref_squeeze %swap3A_1158 : memref<1x32x1024xf32, #tpu.memory_space<vmem>> -> memref<32x1024xf32, #tpu.memory_space<vmem>>
          %swap3A_1160 = arith.index_cast %add3A_462 : i32 to index
          %swap3A_1161 = arith.index_cast %add3A_1147 : i32 to index
          %swap3A_1162 = tpu.vector_load %swap3A_1159[%swap3A_1160, %swap3A_1161] {strides = array<i32>} : memref<32x1024xf32, #tpu.memory_space<vmem>>, vector<1x16xf32>,
          %swap3A_1163 = vector.shape_cast %swap3A_1162 : vector<1x16xf32> to vector<1x16xf32>
          %swap3A_1164 = vector.shape_cast %get3A_1155 : vector<1x16xf32> to vector<1x16xf32>
          tpu.vector_store %swap3A_1159[%swap3A_1160, %swap3A_1161], %swap3A_1164 {strides = array<i32>} : memref<32x1024xf32, #tpu.memory_space<vmem>>, vector<1x16xf32>,
          %scan3A_1165 = arith.constant 32 : i32
          %mul3A_1166 = arith.constant 16 : i32
          %mul3A_1167 = arith.muli %scan3A_1165, %mul3A_1166 : i32
          %add3A_1168 = arith.constant 0 : i32
          %add3A_1169 = arith.addi %add3A_1168, %mul3A_1167 : i32
          %get3A_1170 = arith.constant 0 : i32
          %get3A_1171 = arith.constant 0 : i32
          %get3A_1172 = tpu.memref_slice %run_scoped3A[%rem3A_330, %get3A_1170, %get3A_1171] : memref<2x32x1024xf32, #tpu.memory_space<vmem>> -> memref<1x32x1024xf32, #tpu.memory_space<vmem>>
          %get3A_1173 = tpu.memref_squeeze %get3A_1172 : memref<1x32x1024xf32, #tpu.memory_space<vmem>> -> memref<32x1024xf32, #tpu.memory_space<vmem>>
          %get3A_1174 = arith.index_cast %add3A_462 : i32 to index
          %get3A_1175 = arith.index_cast %add3A_1169 : i32 to index
          %get3A_1176 = tpu.vector_load %get3A_1173[%get3A_1174, %get3A_1175] {strides = array<i32>} : memref<32x1024xf32, #tpu.memory_space<vmem>>, vector<1x16xf32>,
          %get3A_1177 = vector.shape_cast %get3A_1176 : vector<1x16xf32> to vector<1x16xf32>
          %swap3A_1178 = arith.constant 0 : i32
          %swap3A_1179 = arith.constant 0 : i32
          %swap3A_1180 = tpu.memref_slice %run_scoped3A_8[%rem3A_332, %swap3A_1178, %swap3A_1179] : memref<2x32x1024xf32, #tpu.memory_space<vmem>> -> memref<1x32x1024xf32, #tpu.memory_space<vmem>>
          %swap3A_1181 = tpu.memref_squeeze %swap3A_1180 : memref<1x32x1024xf32, #tpu.memory_space<vmem>> -> memref<32x1024xf32, #tpu.memory_space<vmem>>
          %swap3A_1182 = arith.index_cast %add3A_462 : i32 to index
          %swap3A_1183 = arith.index_cast %add3A_1169 : i32 to index
          %swap3A_1184 = tpu.vector_load %swap3A_1181[%swap3A_1182, %swap3A_1183] {strides = array<i32>} : memref<32x1024xf32, #tpu.memory_space<vmem>>, vector<1x16xf32>,
          %swap3A_1185 = vector.shape_cast %swap3A_1184 : vector<1x16xf32> to vector<1x16xf32>
          %swap3A_1186 = vector.shape_cast %get3A_1177 : vector<1x16xf32> to vector<1x16xf32>
          tpu.vector_store %swap3A_1181[%swap3A_1182, %swap3A_1183], %swap3A_1186 {strides = array<i32>} : memref<32x1024xf32, #tpu.memory_space<vmem>>, vector<1x16xf32>,
          %scan3A_1187 = arith.constant 33 : i32
          %mul3A_1188 = arith.constant 16 : i32
          %mul3A_1189 = arith.muli %scan3A_1187, %mul3A_1188 : i32
          %add3A_1190 = arith.constant 0 : i32
          %add3A_1191 = arith.addi %add3A_1190, %mul3A_1189 : i32
          %get3A_1192 = arith.constant 0 : i32
          %get3A_1193 = arith.constant 0 : i32
          %get3A_1194 = tpu.memref_slice %run_scoped3A[%rem3A_330, %get3A_1192, %get3A_1193] : memref<2x32x1024xf32, #tpu.memory_space<vmem>> -> memref<1x32x1024xf32, #tpu.memory_space<vmem>>
          %get3A_1195 = tpu.memref_squeeze %get3A_1194 : memref<1x32x1024xf32, #tpu.memory_space<vmem>> -> memref<32x1024xf32, #tpu.memory_space<vmem>>
          %get3A_1196 = arith.index_cast %add3A_462 : i32 to index
          %get3A_1197 = arith.index_cast %add3A_1191 : i32 to index
          %get3A_1198 = tpu.vector_load %get3A_1195[%get3A_1196, %get3A_1197] {strides = array<i32>} : memref<32x1024xf32, #tpu.memory_space<vmem>>, vector<1x16xf32>,
          %get3A_1199 = vector.shape_cast %get3A_1198 : vector<1x16xf32> to vector<1x16xf32>
          %swap3A_1200 = arith.constant 0 : i32
          %swap3A_1201 = arith.constant 0 : i32
          %swap3A_1202 = tpu.memref_slice %run_scoped3A_8[%rem3A_332, %swap3A_1200, %swap3A_1201] : memref<2x32x1024xf32, #tpu.memory_space<vmem>> -> memref<1x32x1024xf32, #tpu.memory_space<vmem>>
          %swap3A_1203 = tpu.memref_squeeze %swap3A_1202 : memref<1x32x1024xf32, #tpu.memory_space<vmem>> -> memref<32x1024xf32, #tpu.memory_space<vmem>>
          %swap3A_1204 = arith.index_cast %add3A_462 : i32 to index
          %swap3A_1205 = arith.index_cast %add3A_1191 : i32 to index
          %swap3A_1206 = tpu.vector_load %swap3A_1203[%swap3A_1204, %swap3A_1205] {strides = array<i32>} : memref<32x1024xf32, #tpu.memory_space<vmem>>, vector<1x16xf32>,
          %swap3A_1207 = vector.shape_cast %swap3A_1206 : vector<1x16xf32> to vector<1x16xf32>
          %swap3A_1208 = vector.shape_cast %get3A_1199 : vector<1x16xf32> to vector<1x16xf32>
          tpu.vector_store %swap3A_1203[%swap3A_1204, %swap3A_1205], %swap3A_1208 {strides = array<i32>} : memref<32x1024xf32, #tpu.memory_space<vmem>>, vector<1x16xf32>,
          %scan3A_1209 = arith.constant 34 : i32
          %mul3A_1210 = arith.constant 16 : i32
          %mul3A_1211 = arith.muli %scan3A_1209, %mul3A_1210 : i32
          %add3A_1212 = arith.constant 0 : i32
          %add3A_1213 = arith.addi %add3A_1212, %mul3A_1211 : i32
          %get3A_1214 = arith.constant 0 : i32
          %get3A_1215 = arith.constant 0 : i32
          %get3A_1216 = tpu.memref_slice %run_scoped3A[%rem3A_330, %get3A_1214, %get3A_1215] : memref<2x32x1024xf32, #tpu.memory_space<vmem>> -> memref<1x32x1024xf32, #tpu.memory_space<vmem>>
          %get3A_1217 = tpu.memref_squeeze %get3A_1216 : memref<1x32x1024xf32, #tpu.memory_space<vmem>> -> memref<32x1024xf32, #tpu.memory_space<vmem>>
          %get3A_1218 = arith.index_cast %add3A_462 : i32 to index
          %get3A_1219 = arith.index_cast %add3A_1213 : i32 to index
          %get3A_1220 = tpu.vector_load %get3A_1217[%get3A_1218, %get3A_1219] {strides = array<i32>} : memref<32x1024xf32, #tpu.memory_space<vmem>>, vector<1x16xf32>,
          %get3A_1221 = vector.shape_cast %get3A_1220 : vector<1x16xf32> to vector<1x16xf32>
          %swap3A_1222 = arith.constant 0 : i32
          %swap3A_1223 = arith.constant 0 : i32
          %swap3A_1224 = tpu.memref_slice %run_scoped3A_8[%rem3A_332, %swap3A_1222, %swap3A_1223] : memref<2x32x1024xf32, #tpu.memory_space<vmem>> -> memref<1x32x1024xf32, #tpu.memory_space<vmem>>
          %swap3A_1225 = tpu.memref_squeeze %swap3A_1224 : memref<1x32x1024xf32, #tpu.memory_space<vmem>> -> memref<32x1024xf32, #tpu.memory_space<vmem>>
          %swap3A_1226 = arith.index_cast %add3A_462 : i32 to index
          %swap3A_1227 = arith.index_cast %add3A_1213 : i32 to index
          %swap3A_1228 = tpu.vector_load %swap3A_1225[%swap3A_1226, %swap3A_1227] {strides = array<i32>} : memref<32x1024xf32, #tpu.memory_space<vmem>>, vector<1x16xf32>,
          %swap3A_1229 = vector.shape_cast %swap3A_1228 : vector<1x16xf32> to vector<1x16xf32>
          %swap3A_1230 = vector.shape_cast %get3A_1221 : vector<1x16xf32> to vector<1x16xf32>
          tpu.vector_store %swap3A_1225[%swap3A_1226, %swap3A_1227], %swap3A_1230 {strides = array<i32>} : memref<32x1024xf32, #tpu.memory_space<vmem>>, vector<1x16xf32>,
          %scan3A_1231 = arith.constant 35 : i32
          %mul3A_1232 = arith.constant 16 : i32
          %mul3A_1233 = arith.muli %scan3A_1231, %mul3A_1232 : i32
          %add3A_1234 = arith.constant 0 : i32
          %add3A_1235 = arith.addi %add3A_1234, %mul3A_1233 : i32
          %get3A_1236 = arith.constant 0 : i32
          %get3A_1237 = arith.constant 0 : i32
          %get3A_1238 = tpu.memref_slice %run_scoped3A[%rem3A_330, %get3A_1236, %get3A_1237] : memref<2x32x1024xf32, #tpu.memory_space<vmem>> -> memref<1x32x1024xf32, #tpu.memory_space<vmem>>
          %get3A_1239 = tpu.memref_squeeze %get3A_1238 : memref<1x32x1024xf32, #tpu.memory_space<vmem>> -> memref<32x1024xf32, #tpu.memory_space<vmem>>
          %get3A_1240 = arith.index_cast %add3A_462 : i32 to index
          %get3A_1241 = arith.index_cast %add3A_1235 : i32 to index
          %get3A_1242 = tpu.vector_load %get3A_1239[%get3A_1240, %get3A_1241] {strides = array<i32>} : memref<32x1024xf32, #tpu.memory_space<vmem>>, vector<1x16xf32>,
          %get3A_1243 = vector.shape_cast %get3A_1242 : vector<1x16xf32> to vector<1x16xf32>
          %swap3A_1244 = arith.constant 0 : i32
          %swap3A_1245 = arith.constant 0 : i32
          %swap3A_1246 = tpu.memref_slice %run_scoped3A_8[%rem3A_332, %swap3A_1244, %swap3A_1245] : memref<2x32x1024xf32, #tpu.memory_space<vmem>> -> memref<1x32x1024xf32, #tpu.memory_space<vmem>>
          %swap3A_1247 = tpu.memref_squeeze %swap3A_1246 : memref<1x32x1024xf32, #tpu.memory_space<vmem>> -> memref<32x1024xf32, #tpu.memory_space<vmem>>
          %swap3A_1248 = arith.index_cast %add3A_462 : i32 to index
          %swap3A_1249 = arith.index_cast %add3A_1235 : i32 to index
          %swap3A_1250 = tpu.vector_load %swap3A_1247[%swap3A_1248, %swap3A_1249] {strides = array<i32>} : memref<32x1024xf32, #tpu.memory_space<vmem>>, vector<1x16xf32>,
          %swap3A_1251 = vector.shape_cast %swap3A_1250 : vector<1x16xf32> to vector<1x16xf32>
          %swap3A_1252 = vector.shape_cast %get3A_1243 : vector<1x16xf32> to vector<1x16xf32>
          tpu.vector_store %swap3A_1247[%swap3A_1248, %swap3A_1249], %swap3A_1252 {strides = array<i32>} : memref<32x1024xf32, #tpu.memory_space<vmem>>, vector<1x16xf32>,
          %scan3A_1253 = arith.constant 36 : i32
          %mul3A_1254 = arith.constant 16 : i32
          %mul3A_1255 = arith.muli %scan3A_1253, %mul3A_1254 : i32
          %add3A_1256 = arith.constant 0 : i32
          %add3A_1257 = arith.addi %add3A_1256, %mul3A_1255 : i32
          %get3A_1258 = arith.constant 0 : i32
          %get3A_1259 = arith.constant 0 : i32
          %get3A_1260 = tpu.memref_slice %run_scoped3A[%rem3A_330, %get3A_1258, %get3A_1259] : memref<2x32x1024xf32, #tpu.memory_space<vmem>> -> memref<1x32x1024xf32, #tpu.memory_space<vmem>>
          %get3A_1261 = tpu.memref_squeeze %get3A_1260 : memref<1x32x1024xf32, #tpu.memory_space<vmem>> -> memref<32x1024xf32, #tpu.memory_space<vmem>>
          %get3A_1262 = arith.index_cast %add3A_462 : i32 to index
          %get3A_1263 = arith.index_cast %add3A_1257 : i32 to index
          %get3A_1264 = tpu.vector_load %get3A_1261[%get3A_1262, %get3A_1263] {strides = array<i32>} : memref<32x1024xf32, #tpu.memory_space<vmem>>, vector<1x16xf32>,
          %get3A_1265 = vector.shape_cast %get3A_1264 : vector<1x16xf32> to vector<1x16xf32>
          %swap3A_1266 = arith.constant 0 : i32
          %swap3A_1267 = arith.constant 0 : i32
          %swap3A_1268 = tpu.memref_slice %run_scoped3A_8[%rem3A_332, %swap3A_1266, %swap3A_1267] : memref<2x32x1024xf32, #tpu.memory_space<vmem>> -> memref<1x32x1024xf32, #tpu.memory_space<vmem>>
          %swap3A_1269 = tpu.memref_squeeze %swap3A_1268 : memref<1x32x1024xf32, #tpu.memory_space<vmem>> -> memref<32x1024xf32, #tpu.memory_space<vmem>>
          %swap3A_1270 = arith.index_cast %add3A_462 : i32 to index
          %swap3A_1271 = arith.index_cast %add3A_1257 : i32 to index
          %swap3A_1272 = tpu.vector_load %swap3A_1269[%swap3A_1270, %swap3A_1271] {strides = array<i32>} : memref<32x1024xf32, #tpu.memory_space<vmem>>, vector<1x16xf32>,
          %swap3A_1273 = vector.shape_cast %swap3A_1272 : vector<1x16xf32> to vector<1x16xf32>
          %swap3A_1274 = vector.shape_cast %get3A_1265 : vector<1x16xf32> to vector<1x16xf32>
          tpu.vector_store %swap3A_1269[%swap3A_1270, %swap3A_1271], %swap3A_1274 {strides = array<i32>} : memref<32x1024xf32, #tpu.memory_space<vmem>>, vector<1x16xf32>,
          %scan3A_1275 = arith.constant 37 : i32
          %mul3A_1276 = arith.constant 16 : i32
          %mul3A_1277 = arith.muli %scan3A_1275, %mul3A_1276 : i32
          %add3A_1278 = arith.constant 0 : i32
          %add3A_1279 = arith.addi %add3A_1278, %mul3A_1277 : i32
          %get3A_1280 = arith.constant 0 : i32
          %get3A_1281 = arith.constant 0 : i32
          %get3A_1282 = tpu.memref_slice %run_scoped3A[%rem3A_330, %get3A_1280, %get3A_1281] : memref<2x32x1024xf32, #tpu.memory_space<vmem>> -> memref<1x32x1024xf32, #tpu.memory_space<vmem>>
          %get3A_1283 = tpu.memref_squeeze %get3A_1282 : memref<1x32x1024xf32, #tpu.memory_space<vmem>> -> memref<32x1024xf32, #tpu.memory_space<vmem>>
          %get3A_1284 = arith.index_cast %add3A_462 : i32 to index
          %get3A_1285 = arith.index_cast %add3A_1279 : i32 to index
          %get3A_1286 = tpu.vector_load %get3A_1283[%get3A_1284, %get3A_1285] {strides = array<i32>} : memref<32x1024xf32, #tpu.memory_space<vmem>>, vector<1x16xf32>,
          %get3A_1287 = vector.shape_cast %get3A_1286 : vector<1x16xf32> to vector<1x16xf32>
          %swap3A_1288 = arith.constant 0 : i32
          %swap3A_1289 = arith.constant 0 : i32
          %swap3A_1290 = tpu.memref_slice %run_scoped3A_8[%rem3A_332, %swap3A_1288, %swap3A_1289] : memref<2x32x1024xf32, #tpu.memory_space<vmem>> -> memref<1x32x1024xf32, #tpu.memory_space<vmem>>
          %swap3A_1291 = tpu.memref_squeeze %swap3A_1290 : memref<1x32x1024xf32, #tpu.memory_space<vmem>> -> memref<32x1024xf32, #tpu.memory_space<vmem>>
          %swap3A_1292 = arith.index_cast %add3A_462 : i32 to index
          %swap3A_1293 = arith.index_cast %add3A_1279 : i32 to index
          %swap3A_1294 = tpu.vector_load %swap3A_1291[%swap3A_1292, %swap3A_1293] {strides = array<i32>} : memref<32x1024xf32, #tpu.memory_space<vmem>>, vector<1x16xf32>,
          %swap3A_1295 = vector.shape_cast %swap3A_1294 : vector<1x16xf32> to vector<1x16xf32>
          %swap3A_1296 = vector.shape_cast %get3A_1287 : vector<1x16xf32> to vector<1x16xf32>
          tpu.vector_store %swap3A_1291[%swap3A_1292, %swap3A_1293], %swap3A_1296 {strides = array<i32>} : memref<32x1024xf32, #tpu.memory_space<vmem>>, vector<1x16xf32>,
          %scan3A_1297 = arith.constant 38 : i32
          %mul3A_1298 = arith.constant 16 : i32
          %mul3A_1299 = arith.muli %scan3A_1297, %mul3A_1298 : i32
          %add3A_1300 = arith.constant 0 : i32
          %add3A_1301 = arith.addi %add3A_1300, %mul3A_1299 : i32
          %get3A_1302 = arith.constant 0 : i32
          %get3A_1303 = arith.constant 0 : i32
          %get3A_1304 = tpu.memref_slice %run_scoped3A[%rem3A_330, %get3A_1302, %get3A_1303] : memref<2x32x1024xf32, #tpu.memory_space<vmem>> -> memref<1x32x1024xf32, #tpu.memory_space<vmem>>
          %get3A_1305 = tpu.memref_squeeze %get3A_1304 : memref<1x32x1024xf32, #tpu.memory_space<vmem>> -> memref<32x1024xf32, #tpu.memory_space<vmem>>
          %get3A_1306 = arith.index_cast %add3A_462 : i32 to index
          %get3A_1307 = arith.index_cast %add3A_1301 : i32 to index
          %get3A_1308 = tpu.vector_load %get3A_1305[%get3A_1306, %get3A_1307] {strides = array<i32>} : memref<32x1024xf32, #tpu.memory_space<vmem>>, vector<1x16xf32>,
          %get3A_1309 = vector.shape_cast %get3A_1308 : vector<1x16xf32> to vector<1x16xf32>
          %swap3A_1310 = arith.constant 0 : i32
          %swap3A_1311 = arith.constant 0 : i32
          %swap3A_1312 = tpu.memref_slice %run_scoped3A_8[%rem3A_332, %swap3A_1310, %swap3A_1311] : memref<2x32x1024xf32, #tpu.memory_space<vmem>> -> memref<1x32x1024xf32, #tpu.memory_space<vmem>>
          %swap3A_1313 = tpu.memref_squeeze %swap3A_1312 : memref<1x32x1024xf32, #tpu.memory_space<vmem>> -> memref<32x1024xf32, #tpu.memory_space<vmem>>
          %swap3A_1314 = arith.index_cast %add3A_462 : i32 to index
          %swap3A_1315 = arith.index_cast %add3A_1301 : i32 to index
          %swap3A_1316 = tpu.vector_load %swap3A_1313[%swap3A_1314, %swap3A_1315] {strides = array<i32>} : memref<32x1024xf32, #tpu.memory_space<vmem>>, vector<1x16xf32>,
          %swap3A_1317 = vector.shape_cast %swap3A_1316 : vector<1x16xf32> to vector<1x16xf32>
          %swap3A_1318 = vector.shape_cast %get3A_1309 : vector<1x16xf32> to vector<1x16xf32>
          tpu.vector_store %swap3A_1313[%swap3A_1314, %swap3A_1315], %swap3A_1318 {strides = array<i32>} : memref<32x1024xf32, #tpu.memory_space<vmem>>, vector<1x16xf32>,
          %scan3A_1319 = arith.constant 39 : i32
          %mul3A_1320 = arith.constant 16 : i32
          %mul3A_1321 = arith.muli %scan3A_1319, %mul3A_1320 : i32
          %add3A_1322 = arith.constant 0 : i32
          %add3A_1323 = arith.addi %add3A_1322, %mul3A_1321 : i32
          %get3A_1324 = arith.constant 0 : i32
          %get3A_1325 = arith.constant 0 : i32
          %get3A_1326 = tpu.memref_slice %run_scoped3A[%rem3A_330, %get3A_1324, %get3A_1325] : memref<2x32x1024xf32, #tpu.memory_space<vmem>> -> memref<1x32x1024xf32, #tpu.memory_space<vmem>>
          %get3A_1327 = tpu.memref_squeeze %get3A_1326 : memref<1x32x1024xf32, #tpu.memory_space<vmem>> -> memref<32x1024xf32, #tpu.memory_space<vmem>>
          %get3A_1328 = arith.index_cast %add3A_462 : i32 to index
          %get3A_1329 = arith.index_cast %add3A_1323 : i32 to index
          %get3A_1330 = tpu.vector_load %get3A_1327[%get3A_1328, %get3A_1329] {strides = array<i32>} : memref<32x1024xf32, #tpu.memory_space<vmem>>, vector<1x16xf32>,
          %get3A_1331 = vector.shape_cast %get3A_1330 : vector<1x16xf32> to vector<1x16xf32>
          %swap3A_1332 = arith.constant 0 : i32
          %swap3A_1333 = arith.constant 0 : i32
          %swap3A_1334 = tpu.memref_slice %run_scoped3A_8[%rem3A_332, %swap3A_1332, %swap3A_1333] : memref<2x32x1024xf32, #tpu.memory_space<vmem>> -> memref<1x32x1024xf32, #tpu.memory_space<vmem>>
          %swap3A_1335 = tpu.memref_squeeze %swap3A_1334 : memref<1x32x1024xf32, #tpu.memory_space<vmem>> -> memref<32x1024xf32, #tpu.memory_space<vmem>>
          %swap3A_1336 = arith.index_cast %add3A_462 : i32 to index
          %swap3A_1337 = arith.index_cast %add3A_1323 : i32 to index
          %swap3A_1338 = tpu.vector_load %swap3A_1335[%swap3A_1336, %swap3A_1337] {strides = array<i32>} : memref<32x1024xf32, #tpu.memory_space<vmem>>, vector<1x16xf32>,
          %swap3A_1339 = vector.shape_cast %swap3A_1338 : vector<1x16xf32> to vector<1x16xf32>
          %swap3A_1340 = vector.shape_cast %get3A_1331 : vector<1x16xf32> to vector<1x16xf32>
          tpu.vector_store %swap3A_1335[%swap3A_1336, %swap3A_1337], %swap3A_1340 {strides = array<i32>} : memref<32x1024xf32, #tpu.memory_space<vmem>>, vector<1x16xf32>,
          %scan3A_1341 = arith.constant 40 : i32
          %mul3A_1342 = arith.constant 16 : i32
          %mul3A_1343 = arith.muli %scan3A_1341, %mul3A_1342 : i32
          %add3A_1344 = arith.constant 0 : i32
          %add3A_1345 = arith.addi %add3A_1344, %mul3A_1343 : i32
          %get3A_1346 = arith.constant 0 : i32
          %get3A_1347 = arith.constant 0 : i32
          %get3A_1348 = tpu.memref_slice %run_scoped3A[%rem3A_330, %get3A_1346, %get3A_1347] : memref<2x32x1024xf32, #tpu.memory_space<vmem>> -> memref<1x32x1024xf32, #tpu.memory_space<vmem>>
          %get3A_1349 = tpu.memref_squeeze %get3A_1348 : memref<1x32x1024xf32, #tpu.memory_space<vmem>> -> memref<32x1024xf32, #tpu.memory_space<vmem>>
          %get3A_1350 = arith.index_cast %add3A_462 : i32 to index
          %get3A_1351 = arith.index_cast %add3A_1345 : i32 to index
          %get3A_1352 = tpu.vector_load %get3A_1349[%get3A_1350, %get3A_1351] {strides = array<i32>} : memref<32x1024xf32, #tpu.memory_space<vmem>>, vector<1x16xf32>,
          %get3A_1353 = vector.shape_cast %get3A_1352 : vector<1x16xf32> to vector<1x16xf32>
          %swap3A_1354 = arith.constant 0 : i32
          %swap3A_1355 = arith.constant 0 : i32
          %swap3A_1356 = tpu.memref_slice %run_scoped3A_8[%rem3A_332, %swap3A_1354, %swap3A_1355] : memref<2x32x1024xf32, #tpu.memory_space<vmem>> -> memref<1x32x1024xf32, #tpu.memory_space<vmem>>
          %swap3A_1357 = tpu.memref_squeeze %swap3A_1356 : memref<1x32x1024xf32, #tpu.memory_space<vmem>> -> memref<32x1024xf32, #tpu.memory_space<vmem>>
          %swap3A_1358 = arith.index_cast %add3A_462 : i32 to index
          %swap3A_1359 = arith.index_cast %add3A_1345 : i32 to index
          %swap3A_1360 = tpu.vector_load %swap3A_1357[%swap3A_1358, %swap3A_1359] {strides = array<i32>} : memref<32x1024xf32, #tpu.memory_space<vmem>>, vector<1x16xf32>,
          %swap3A_1361 = vector.shape_cast %swap3A_1360 : vector<1x16xf32> to vector<1x16xf32>
          %swap3A_1362 = vector.shape_cast %get3A_1353 : vector<1x16xf32> to vector<1x16xf32>
          tpu.vector_store %swap3A_1357[%swap3A_1358, %swap3A_1359], %swap3A_1362 {strides = array<i32>} : memref<32x1024xf32, #tpu.memory_space<vmem>>, vector<1x16xf32>,
          %scan3A_1363 = arith.constant 41 : i32
          %mul3A_1364 = arith.constant 16 : i32
          %mul3A_1365 = arith.muli %scan3A_1363, %mul3A_1364 : i32
          %add3A_1366 = arith.constant 0 : i32
          %add3A_1367 = arith.addi %add3A_1366, %mul3A_1365 : i32
          %get3A_1368 = arith.constant 0 : i32
          %get3A_1369 = arith.constant 0 : i32
          %get3A_1370 = tpu.memref_slice %run_scoped3A[%rem3A_330, %get3A_1368, %get3A_1369] : memref<2x32x1024xf32, #tpu.memory_space<vmem>> -> memref<1x32x1024xf32, #tpu.memory_space<vmem>>
          %get3A_1371 = tpu.memref_squeeze %get3A_1370 : memref<1x32x1024xf32, #tpu.memory_space<vmem>> -> memref<32x1024xf32, #tpu.memory_space<vmem>>
          %get3A_1372 = arith.index_cast %add3A_462 : i32 to index
          %get3A_1373 = arith.index_cast %add3A_1367 : i32 to index
          %get3A_1374 = tpu.vector_load %get3A_1371[%get3A_1372, %get3A_1373] {strides = array<i32>} : memref<32x1024xf32, #tpu.memory_space<vmem>>, vector<1x16xf32>,
          %get3A_1375 = vector.shape_cast %get3A_1374 : vector<1x16xf32> to vector<1x16xf32>
          %swap3A_1376 = arith.constant 0 : i32
          %swap3A_1377 = arith.constant 0 : i32
          %swap3A_1378 = tpu.memref_slice %run_scoped3A_8[%rem3A_332, %swap3A_1376, %swap3A_1377] : memref<2x32x1024xf32, #tpu.memory_space<vmem>> -> memref<1x32x1024xf32, #tpu.memory_space<vmem>>
          %swap3A_1379 = tpu.memref_squeeze %swap3A_1378 : memref<1x32x1024xf32, #tpu.memory_space<vmem>> -> memref<32x1024xf32, #tpu.memory_space<vmem>>
          %swap3A_1380 = arith.index_cast %add3A_462 : i32 to index
          %swap3A_1381 = arith.index_cast %add3A_1367 : i32 to index
          %swap3A_1382 = tpu.vector_load %swap3A_1379[%swap3A_1380, %swap3A_1381] {strides = array<i32>} : memref<32x1024xf32, #tpu.memory_space<vmem>>, vector<1x16xf32>,
          %swap3A_1383 = vector.shape_cast %swap3A_1382 : vector<1x16xf32> to vector<1x16xf32>
          %swap3A_1384 = vector.shape_cast %get3A_1375 : vector<1x16xf32> to vector<1x16xf32>
          tpu.vector_store %swap3A_1379[%swap3A_1380, %swap3A_1381], %swap3A_1384 {strides = array<i32>} : memref<32x1024xf32, #tpu.memory_space<vmem>>, vector<1x16xf32>,
          %scan3A_1385 = arith.constant 42 : i32
          %mul3A_1386 = arith.constant 16 : i32
          %mul3A_1387 = arith.muli %scan3A_1385, %mul3A_1386 : i32
          %add3A_1388 = arith.constant 0 : i32
          %add3A_1389 = arith.addi %add3A_1388, %mul3A_1387 : i32
          %get3A_1390 = arith.constant 0 : i32
          %get3A_1391 = arith.constant 0 : i32
          %get3A_1392 = tpu.memref_slice %run_scoped3A[%rem3A_330, %get3A_1390, %get3A_1391] : memref<2x32x1024xf32, #tpu.memory_space<vmem>> -> memref<1x32x1024xf32, #tpu.memory_space<vmem>>
          %get3A_1393 = tpu.memref_squeeze %get3A_1392 : memref<1x32x1024xf32, #tpu.memory_space<vmem>> -> memref<32x1024xf32, #tpu.memory_space<vmem>>
          %get3A_1394 = arith.index_cast %add3A_462 : i32 to index
          %get3A_1395 = arith.index_cast %add3A_1389 : i32 to index
          %get3A_1396 = tpu.vector_load %get3A_1393[%get3A_1394, %get3A_1395] {strides = array<i32>} : memref<32x1024xf32, #tpu.memory_space<vmem>>, vector<1x16xf32>,
          %get3A_1397 = vector.shape_cast %get3A_1396 : vector<1x16xf32> to vector<1x16xf32>
          %swap3A_1398 = arith.constant 0 : i32
          %swap3A_1399 = arith.constant 0 : i32
          %swap3A_1400 = tpu.memref_slice %run_scoped3A_8[%rem3A_332, %swap3A_1398, %swap3A_1399] : memref<2x32x1024xf32, #tpu.memory_space<vmem>> -> memref<1x32x1024xf32, #tpu.memory_space<vmem>>
          %swap3A_1401 = tpu.memref_squeeze %swap3A_1400 : memref<1x32x1024xf32, #tpu.memory_space<vmem>> -> memref<32x1024xf32, #tpu.memory_space<vmem>>
          %swap3A_1402 = arith.index_cast %add3A_462 : i32 to index
          %swap3A_1403 = arith.index_cast %add3A_1389 : i32 to index
          %swap3A_1404 = tpu.vector_load %swap3A_1401[%swap3A_1402, %swap3A_1403] {strides = array<i32>} : memref<32x1024xf32, #tpu.memory_space<vmem>>, vector<1x16xf32>,
          %swap3A_1405 = vector.shape_cast %swap3A_1404 : vector<1x16xf32> to vector<1x16xf32>
          %swap3A_1406 = vector.shape_cast %get3A_1397 : vector<1x16xf32> to vector<1x16xf32>
          tpu.vector_store %swap3A_1401[%swap3A_1402, %swap3A_1403], %swap3A_1406 {strides = array<i32>} : memref<32x1024xf32, #tpu.memory_space<vmem>>, vector<1x16xf32>,
          %scan3A_1407 = arith.constant 43 : i32
          %mul3A_1408 = arith.constant 16 : i32
          %mul3A_1409 = arith.muli %scan3A_1407, %mul3A_1408 : i32
          %add3A_1410 = arith.constant 0 : i32
          %add3A_1411 = arith.addi %add3A_1410, %mul3A_1409 : i32
          %get3A_1412 = arith.constant 0 : i32
          %get3A_1413 = arith.constant 0 : i32
          %get3A_1414 = tpu.memref_slice %run_scoped3A[%rem3A_330, %get3A_1412, %get3A_1413] : memref<2x32x1024xf32, #tpu.memory_space<vmem>> -> memref<1x32x1024xf32, #tpu.memory_space<vmem>>
          %get3A_1415 = tpu.memref_squeeze %get3A_1414 : memref<1x32x1024xf32, #tpu.memory_space<vmem>> -> memref<32x1024xf32, #tpu.memory_space<vmem>>
          %get3A_1416 = arith.index_cast %add3A_462 : i32 to index
          %get3A_1417 = arith.index_cast %add3A_1411 : i32 to index
          %get3A_1418 = tpu.vector_load %get3A_1415[%get3A_1416, %get3A_1417] {strides = array<i32>} : memref<32x1024xf32, #tpu.memory_space<vmem>>, vector<1x16xf32>,
          %get3A_1419 = vector.shape_cast %get3A_1418 : vector<1x16xf32> to vector<1x16xf32>
          %swap3A_1420 = arith.constant 0 : i32
          %swap3A_1421 = arith.constant 0 : i32
          %swap3A_1422 = tpu.memref_slice %run_scoped3A_8[%rem3A_332, %swap3A_1420, %swap3A_1421] : memref<2x32x1024xf32, #tpu.memory_space<vmem>> -> memref<1x32x1024xf32, #tpu.memory_space<vmem>>
          %swap3A_1423 = tpu.memref_squeeze %swap3A_1422 : memref<1x32x1024xf32, #tpu.memory_space<vmem>> -> memref<32x1024xf32, #tpu.memory_space<vmem>>
          %swap3A_1424 = arith.index_cast %add3A_462 : i32 to index
          %swap3A_1425 = arith.index_cast %add3A_1411 : i32 to index
          %swap3A_1426 = tpu.vector_load %swap3A_1423[%swap3A_1424, %swap3A_1425] {strides = array<i32>} : memref<32x1024xf32, #tpu.memory_space<vmem>>, vector<1x16xf32>,
          %swap3A_1427 = vector.shape_cast %swap3A_1426 : vector<1x16xf32> to vector<1x16xf32>
          %swap3A_1428 = vector.shape_cast %get3A_1419 : vector<1x16xf32> to vector<1x16xf32>
          tpu.vector_store %swap3A_1423[%swap3A_1424, %swap3A_1425], %swap3A_1428 {strides = array<i32>} : memref<32x1024xf32, #tpu.memory_space<vmem>>, vector<1x16xf32>,
          %scan3A_1429 = arith.constant 44 : i32
          %mul3A_1430 = arith.constant 16 : i32
          %mul3A_1431 = arith.muli %scan3A_1429, %mul3A_1430 : i32
          %add3A_1432 = arith.constant 0 : i32
          %add3A_1433 = arith.addi %add3A_1432, %mul3A_1431 : i32
          %get3A_1434 = arith.constant 0 : i32
          %get3A_1435 = arith.constant 0 : i32
          %get3A_1436 = tpu.memref_slice %run_scoped3A[%rem3A_330, %get3A_1434, %get3A_1435] : memref<2x32x1024xf32, #tpu.memory_space<vmem>> -> memref<1x32x1024xf32, #tpu.memory_space<vmem>>
          %get3A_1437 = tpu.memref_squeeze %get3A_1436 : memref<1x32x1024xf32, #tpu.memory_space<vmem>> -> memref<32x1024xf32, #tpu.memory_space<vmem>>
          %get3A_1438 = arith.index_cast %add3A_462 : i32 to index
          %get3A_1439 = arith.index_cast %add3A_1433 : i32 to index
          %get3A_1440 = tpu.vector_load %get3A_1437[%get3A_1438, %get3A_1439] {strides = array<i32>} : memref<32x1024xf32, #tpu.memory_space<vmem>>, vector<1x16xf32>,
          %get3A_1441 = vector.shape_cast %get3A_1440 : vector<1x16xf32> to vector<1x16xf32>
          %swap3A_1442 = arith.constant 0 : i32
          %swap3A_1443 = arith.constant 0 : i32
          %swap3A_1444 = tpu.memref_slice %run_scoped3A_8[%rem3A_332, %swap3A_1442, %swap3A_1443] : memref<2x32x1024xf32, #tpu.memory_space<vmem>> -> memref<1x32x1024xf32, #tpu.memory_space<vmem>>
          %swap3A_1445 = tpu.memref_squeeze %swap3A_1444 : memref<1x32x1024xf32, #tpu.memory_space<vmem>> -> memref<32x1024xf32, #tpu.memory_space<vmem>>
          %swap3A_1446 = arith.index_cast %add3A_462 : i32 to index
          %swap3A_1447 = arith.index_cast %add3A_1433 : i32 to index
          %swap3A_1448 = tpu.vector_load %swap3A_1445[%swap3A_1446, %swap3A_1447] {strides = array<i32>} : memref<32x1024xf32, #tpu.memory_space<vmem>>, vector<1x16xf32>,
          %swap3A_1449 = vector.shape_cast %swap3A_1448 : vector<1x16xf32> to vector<1x16xf32>
          %swap3A_1450 = vector.shape_cast %get3A_1441 : vector<1x16xf32> to vector<1x16xf32>
          tpu.vector_store %swap3A_1445[%swap3A_1446, %swap3A_1447], %swap3A_1450 {strides = array<i32>} : memref<32x1024xf32, #tpu.memory_space<vmem>>, vector<1x16xf32>,
          %scan3A_1451 = arith.constant 45 : i32
          %mul3A_1452 = arith.constant 16 : i32
          %mul3A_1453 = arith.muli %scan3A_1451, %mul3A_1452 : i32
          %add3A_1454 = arith.constant 0 : i32
          %add3A_1455 = arith.addi %add3A_1454, %mul3A_1453 : i32
          %get3A_1456 = arith.constant 0 : i32
          %get3A_1457 = arith.constant 0 : i32
          %get3A_1458 = tpu.memref_slice %run_scoped3A[%rem3A_330, %get3A_1456, %get3A_1457] : memref<2x32x1024xf32, #tpu.memory_space<vmem>> -> memref<1x32x1024xf32, #tpu.memory_space<vmem>>
          %get3A_1459 = tpu.memref_squeeze %get3A_1458 : memref<1x32x1024xf32, #tpu.memory_space<vmem>> -> memref<32x1024xf32, #tpu.memory_space<vmem>>
          %get3A_1460 = arith.index_cast %add3A_462 : i32 to index
          %get3A_1461 = arith.index_cast %add3A_1455 : i32 to index
          %get3A_1462 = tpu.vector_load %get3A_1459[%get3A_1460, %get3A_1461] {strides = array<i32>} : memref<32x1024xf32, #tpu.memory_space<vmem>>, vector<1x16xf32>,
          %get3A_1463 = vector.shape_cast %get3A_1462 : vector<1x16xf32> to vector<1x16xf32>
          %swap3A_1464 = arith.constant 0 : i32
          %swap3A_1465 = arith.constant 0 : i32
          %swap3A_1466 = tpu.memref_slice %run_scoped3A_8[%rem3A_332, %swap3A_1464, %swap3A_1465] : memref<2x32x1024xf32, #tpu.memory_space<vmem>> -> memref<1x32x1024xf32, #tpu.memory_space<vmem>>
          %swap3A_1467 = tpu.memref_squeeze %swap3A_1466 : memref<1x32x1024xf32, #tpu.memory_space<vmem>> -> memref<32x1024xf32, #tpu.memory_space<vmem>>
          %swap3A_1468 = arith.index_cast %add3A_462 : i32 to index
          %swap3A_1469 = arith.index_cast %add3A_1455 : i32 to index
          %swap3A_1470 = tpu.vector_load %swap3A_1467[%swap3A_1468, %swap3A_1469] {strides = array<i32>} : memref<32x1024xf32, #tpu.memory_space<vmem>>, vector<1x16xf32>,
          %swap3A_1471 = vector.shape_cast %swap3A_1470 : vector<1x16xf32> to vector<1x16xf32>
          %swap3A_1472 = vector.shape_cast %get3A_1463 : vector<1x16xf32> to vector<1x16xf32>
          tpu.vector_store %swap3A_1467[%swap3A_1468, %swap3A_1469], %swap3A_1472 {strides = array<i32>} : memref<32x1024xf32, #tpu.memory_space<vmem>>, vector<1x16xf32>,
          %scan3A_1473 = arith.constant 46 : i32
          %mul3A_1474 = arith.constant 16 : i32
          %mul3A_1475 = arith.muli %scan3A_1473, %mul3A_1474 : i32
          %add3A_1476 = arith.constant 0 : i32
          %add3A_1477 = arith.addi %add3A_1476, %mul3A_1475 : i32
          %get3A_1478 = arith.constant 0 : i32
          %get3A_1479 = arith.constant 0 : i32
          %get3A_1480 = tpu.memref_slice %run_scoped3A[%rem3A_330, %get3A_1478, %get3A_1479] : memref<2x32x1024xf32, #tpu.memory_space<vmem>> -> memref<1x32x1024xf32, #tpu.memory_space<vmem>>
          %get3A_1481 = tpu.memref_squeeze %get3A_1480 : memref<1x32x1024xf32, #tpu.memory_space<vmem>> -> memref<32x1024xf32, #tpu.memory_space<vmem>>
          %get3A_1482 = arith.index_cast %add3A_462 : i32 to index
          %get3A_1483 = arith.index_cast %add3A_1477 : i32 to index
          %get3A_1484 = tpu.vector_load %get3A_1481[%get3A_1482, %get3A_1483] {strides = array<i32>} : memref<32x1024xf32, #tpu.memory_space<vmem>>, vector<1x16xf32>,
          %get3A_1485 = vector.shape_cast %get3A_1484 : vector<1x16xf32> to vector<1x16xf32>
          %swap3A_1486 = arith.constant 0 : i32
          %swap3A_1487 = arith.constant 0 : i32
          %swap3A_1488 = tpu.memref_slice %run_scoped3A_8[%rem3A_332, %swap3A_1486, %swap3A_1487] : memref<2x32x1024xf32, #tpu.memory_space<vmem>> -> memref<1x32x1024xf32, #tpu.memory_space<vmem>>
          %swap3A_1489 = tpu.memref_squeeze %swap3A_1488 : memref<1x32x1024xf32, #tpu.memory_space<vmem>> -> memref<32x1024xf32, #tpu.memory_space<vmem>>
          %swap3A_1490 = arith.index_cast %add3A_462 : i32 to index
          %swap3A_1491 = arith.index_cast %add3A_1477 : i32 to index
          %swap3A_1492 = tpu.vector_load %swap3A_1489[%swap3A_1490, %swap3A_1491] {strides = array<i32>} : memref<32x1024xf32, #tpu.memory_space<vmem>>, vector<1x16xf32>,
          %swap3A_1493 = vector.shape_cast %swap3A_1492 : vector<1x16xf32> to vector<1x16xf32>
          %swap3A_1494 = vector.shape_cast %get3A_1485 : vector<1x16xf32> to vector<1x16xf32>
          tpu.vector_store %swap3A_1489[%swap3A_1490, %swap3A_1491], %swap3A_1494 {strides = array<i32>} : memref<32x1024xf32, #tpu.memory_space<vmem>>, vector<1x16xf32>,
          %scan3A_1495 = arith.constant 47 : i32
          %mul3A_1496 = arith.constant 16 : i32
          %mul3A_1497 = arith.muli %scan3A_1495, %mul3A_1496 : i32
          %add3A_1498 = arith.constant 0 : i32
          %add3A_1499 = arith.addi %add3A_1498, %mul3A_1497 : i32
          %get3A_1500 = arith.constant 0 : i32
          %get3A_1501 = arith.constant 0 : i32
          %get3A_1502 = tpu.memref_slice %run_scoped3A[%rem3A_330, %get3A_1500, %get3A_1501] : memref<2x32x1024xf32, #tpu.memory_space<vmem>> -> memref<1x32x1024xf32, #tpu.memory_space<vmem>>
          %get3A_1503 = tpu.memref_squeeze %get3A_1502 : memref<1x32x1024xf32, #tpu.memory_space<vmem>> -> memref<32x1024xf32, #tpu.memory_space<vmem>>
          %get3A_1504 = arith.index_cast %add3A_462 : i32 to index
          %get3A_1505 = arith.index_cast %add3A_1499 : i32 to index
          %get3A_1506 = tpu.vector_load %get3A_1503[%get3A_1504, %get3A_1505] {strides = array<i32>} : memref<32x1024xf32, #tpu.memory_space<vmem>>, vector<1x16xf32>,
          %get3A_1507 = vector.shape_cast %get3A_1506 : vector<1x16xf32> to vector<1x16xf32>
          %swap3A_1508 = arith.constant 0 : i32
          %swap3A_1509 = arith.constant 0 : i32
          %swap3A_1510 = tpu.memref_slice %run_scoped3A_8[%rem3A_332, %swap3A_1508, %swap3A_1509] : memref<2x32x1024xf32, #tpu.memory_space<vmem>> -> memref<1x32x1024xf32, #tpu.memory_space<vmem>>
          %swap3A_1511 = tpu.memref_squeeze %swap3A_1510 : memref<1x32x1024xf32, #tpu.memory_space<vmem>> -> memref<32x1024xf32, #tpu.memory_space<vmem>>
          %swap3A_1512 = arith.index_cast %add3A_462 : i32 to index
          %swap3A_1513 = arith.index_cast %add3A_1499 : i32 to index
          %swap3A_1514 = tpu.vector_load %swap3A_1511[%swap3A_1512, %swap3A_1513] {strides = array<i32>} : memref<32x1024xf32, #tpu.memory_space<vmem>>, vector<1x16xf32>,
          %swap3A_1515 = vector.shape_cast %swap3A_1514 : vector<1x16xf32> to vector<1x16xf32>
          %swap3A_1516 = vector.shape_cast %get3A_1507 : vector<1x16xf32> to vector<1x16xf32>
          tpu.vector_store %swap3A_1511[%swap3A_1512, %swap3A_1513], %swap3A_1516 {strides = array<i32>} : memref<32x1024xf32, #tpu.memory_space<vmem>>, vector<1x16xf32>,
          %scan3A_1517 = arith.constant 48 : i32
          %mul3A_1518 = arith.constant 16 : i32
          %mul3A_1519 = arith.muli %scan3A_1517, %mul3A_1518 : i32
          %add3A_1520 = arith.constant 0 : i32
          %add3A_1521 = arith.addi %add3A_1520, %mul3A_1519 : i32
          %get3A_1522 = arith.constant 0 : i32
          %get3A_1523 = arith.constant 0 : i32
          %get3A_1524 = tpu.memref_slice %run_scoped3A[%rem3A_330, %get3A_1522, %get3A_1523] : memref<2x32x1024xf32, #tpu.memory_space<vmem>> -> memref<1x32x1024xf32, #tpu.memory_space<vmem>>
          %get3A_1525 = tpu.memref_squeeze %get3A_1524 : memref<1x32x1024xf32, #tpu.memory_space<vmem>> -> memref<32x1024xf32, #tpu.memory_space<vmem>>
          %get3A_1526 = arith.index_cast %add3A_462 : i32 to index
          %get3A_1527 = arith.index_cast %add3A_1521 : i32 to index
          %get3A_1528 = tpu.vector_load %get3A_1525[%get3A_1526, %get3A_1527] {strides = array<i32>} : memref<32x1024xf32, #tpu.memory_space<vmem>>, vector<1x16xf32>,
          %get3A_1529 = vector.shape_cast %get3A_1528 : vector<1x16xf32> to vector<1x16xf32>
          %swap3A_1530 = arith.constant 0 : i32
          %swap3A_1531 = arith.constant 0 : i32
          %swap3A_1532 = tpu.memref_slice %run_scoped3A_8[%rem3A_332, %swap3A_1530, %swap3A_1531] : memref<2x32x1024xf32, #tpu.memory_space<vmem>> -> memref<1x32x1024xf32, #tpu.memory_space<vmem>>
          %swap3A_1533 = tpu.memref_squeeze %swap3A_1532 : memref<1x32x1024xf32, #tpu.memory_space<vmem>> -> memref<32x1024xf32, #tpu.memory_space<vmem>>
          %swap3A_1534 = arith.index_cast %add3A_462 : i32 to index
          %swap3A_1535 = arith.index_cast %add3A_1521 : i32 to index
          %swap3A_1536 = tpu.vector_load %swap3A_1533[%swap3A_1534, %swap3A_1535] {strides = array<i32>} : memref<32x1024xf32, #tpu.memory_space<vmem>>, vector<1x16xf32>,
          %swap3A_1537 = vector.shape_cast %swap3A_1536 : vector<1x16xf32> to vector<1x16xf32>
          %swap3A_1538 = vector.shape_cast %get3A_1529 : vector<1x16xf32> to vector<1x16xf32>
          tpu.vector_store %swap3A_1533[%swap3A_1534, %swap3A_1535], %swap3A_1538 {strides = array<i32>} : memref<32x1024xf32, #tpu.memory_space<vmem>>, vector<1x16xf32>,
          %scan3A_1539 = arith.constant 49 : i32
          %mul3A_1540 = arith.constant 16 : i32
          %mul3A_1541 = arith.muli %scan3A_1539, %mul3A_1540 : i32
          %add3A_1542 = arith.constant 0 : i32
          %add3A_1543 = arith.addi %add3A_1542, %mul3A_1541 : i32
          %get3A_1544 = arith.constant 0 : i32
          %get3A_1545 = arith.constant 0 : i32
          %get3A_1546 = tpu.memref_slice %run_scoped3A[%rem3A_330, %get3A_1544, %get3A_1545] : memref<2x32x1024xf32, #tpu.memory_space<vmem>> -> memref<1x32x1024xf32, #tpu.memory_space<vmem>>
          %get3A_1547 = tpu.memref_squeeze %get3A_1546 : memref<1x32x1024xf32, #tpu.memory_space<vmem>> -> memref<32x1024xf32, #tpu.memory_space<vmem>>
          %get3A_1548 = arith.index_cast %add3A_462 : i32 to index
          %get3A_1549 = arith.index_cast %add3A_1543 : i32 to index
          %get3A_1550 = tpu.vector_load %get3A_1547[%get3A_1548, %get3A_1549] {strides = array<i32>} : memref<32x1024xf32, #tpu.memory_space<vmem>>, vector<1x16xf32>,
          %get3A_1551 = vector.shape_cast %get3A_1550 : vector<1x16xf32> to vector<1x16xf32>
          %swap3A_1552 = arith.constant 0 : i32
          %swap3A_1553 = arith.constant 0 : i32
          %swap3A_1554 = tpu.memref_slice %run_scoped3A_8[%rem3A_332, %swap3A_1552, %swap3A_1553] : memref<2x32x1024xf32, #tpu.memory_space<vmem>> -> memref<1x32x1024xf32, #tpu.memory_space<vmem>>
          %swap3A_1555 = tpu.memref_squeeze %swap3A_1554 : memref<1x32x1024xf32, #tpu.memory_space<vmem>> -> memref<32x1024xf32, #tpu.memory_space<vmem>>
          %swap3A_1556 = arith.index_cast %add3A_462 : i32 to index
          %swap3A_1557 = arith.index_cast %add3A_1543 : i32 to index
          %swap3A_1558 = tpu.vector_load %swap3A_1555[%swap3A_1556, %swap3A_1557] {strides = array<i32>} : memref<32x1024xf32, #tpu.memory_space<vmem>>, vector<1x16xf32>,
          %swap3A_1559 = vector.shape_cast %swap3A_1558 : vector<1x16xf32> to vector<1x16xf32>
          %swap3A_1560 = vector.shape_cast %get3A_1551 : vector<1x16xf32> to vector<1x16xf32>
          tpu.vector_store %swap3A_1555[%swap3A_1556, %swap3A_1557], %swap3A_1560 {strides = array<i32>} : memref<32x1024xf32, #tpu.memory_space<vmem>>, vector<1x16xf32>,
          %scan3A_1561 = arith.constant 50 : i32
          %mul3A_1562 = arith.constant 16 : i32
          %mul3A_1563 = arith.muli %scan3A_1561, %mul3A_1562 : i32
          %add3A_1564 = arith.constant 0 : i32
          %add3A_1565 = arith.addi %add3A_1564, %mul3A_1563 : i32
          %get3A_1566 = arith.constant 0 : i32
          %get3A_1567 = arith.constant 0 : i32
          %get3A_1568 = tpu.memref_slice %run_scoped3A[%rem3A_330, %get3A_1566, %get3A_1567] : memref<2x32x1024xf32, #tpu.memory_space<vmem>> -> memref<1x32x1024xf32, #tpu.memory_space<vmem>>
          %get3A_1569 = tpu.memref_squeeze %get3A_1568 : memref<1x32x1024xf32, #tpu.memory_space<vmem>> -> memref<32x1024xf32, #tpu.memory_space<vmem>>
          %get3A_1570 = arith.index_cast %add3A_462 : i32 to index
          %get3A_1571 = arith.index_cast %add3A_1565 : i32 to index
          %get3A_1572 = tpu.vector_load %get3A_1569[%get3A_1570, %get3A_1571] {strides = array<i32>} : memref<32x1024xf32, #tpu.memory_space<vmem>>, vector<1x16xf32>,
          %get3A_1573 = vector.shape_cast %get3A_1572 : vector<1x16xf32> to vector<1x16xf32>
          %swap3A_1574 = arith.constant 0 : i32
          %swap3A_1575 = arith.constant 0 : i32
          %swap3A_1576 = tpu.memref_slice %run_scoped3A_8[%rem3A_332, %swap3A_1574, %swap3A_1575] : memref<2x32x1024xf32, #tpu.memory_space<vmem>> -> memref<1x32x1024xf32, #tpu.memory_space<vmem>>
          %swap3A_1577 = tpu.memref_squeeze %swap3A_1576 : memref<1x32x1024xf32, #tpu.memory_space<vmem>> -> memref<32x1024xf32, #tpu.memory_space<vmem>>
          %swap3A_1578 = arith.index_cast %add3A_462 : i32 to index
          %swap3A_1579 = arith.index_cast %add3A_1565 : i32 to index
          %swap3A_1580 = tpu.vector_load %swap3A_1577[%swap3A_1578, %swap3A_1579] {strides = array<i32>} : memref<32x1024xf32, #tpu.memory_space<vmem>>, vector<1x16xf32>,
          %swap3A_1581 = vector.shape_cast %swap3A_1580 : vector<1x16xf32> to vector<1x16xf32>
          %swap3A_1582 = vector.shape_cast %get3A_1573 : vector<1x16xf32> to vector<1x16xf32>
          tpu.vector_store %swap3A_1577[%swap3A_1578, %swap3A_1579], %swap3A_1582 {strides = array<i32>} : memref<32x1024xf32, #tpu.memory_space<vmem>>, vector<1x16xf32>,
          %scan3A_1583 = arith.constant 51 : i32
          %mul3A_1584 = arith.constant 16 : i32
          %mul3A_1585 = arith.muli %scan3A_1583, %mul3A_1584 : i32
          %add3A_1586 = arith.constant 0 : i32
          %add3A_1587 = arith.addi %add3A_1586, %mul3A_1585 : i32
          %get3A_1588 = arith.constant 0 : i32
          %get3A_1589 = arith.constant 0 : i32
          %get3A_1590 = tpu.memref_slice %run_scoped3A[%rem3A_330, %get3A_1588, %get3A_1589] : memref<2x32x1024xf32, #tpu.memory_space<vmem>> -> memref<1x32x1024xf32, #tpu.memory_space<vmem>>
          %get3A_1591 = tpu.memref_squeeze %get3A_1590 : memref<1x32x1024xf32, #tpu.memory_space<vmem>> -> memref<32x1024xf32, #tpu.memory_space<vmem>>
          %get3A_1592 = arith.index_cast %add3A_462 : i32 to index
          %get3A_1593 = arith.index_cast %add3A_1587 : i32 to index
          %get3A_1594 = tpu.vector_load %get3A_1591[%get3A_1592, %get3A_1593] {strides = array<i32>} : memref<32x1024xf32, #tpu.memory_space<vmem>>, vector<1x16xf32>,
          %get3A_1595 = vector.shape_cast %get3A_1594 : vector<1x16xf32> to vector<1x16xf32>
          %swap3A_1596 = arith.constant 0 : i32
          %swap3A_1597 = arith.constant 0 : i32
          %swap3A_1598 = tpu.memref_slice %run_scoped3A_8[%rem3A_332, %swap3A_1596, %swap3A_1597] : memref<2x32x1024xf32, #tpu.memory_space<vmem>> -> memref<1x32x1024xf32, #tpu.memory_space<vmem>>
          %swap3A_1599 = tpu.memref_squeeze %swap3A_1598 : memref<1x32x1024xf32, #tpu.memory_space<vmem>> -> memref<32x1024xf32, #tpu.memory_space<vmem>>
          %swap3A_1600 = arith.index_cast %add3A_462 : i32 to index
          %swap3A_1601 = arith.index_cast %add3A_1587 : i32 to index
          %swap3A_1602 = tpu.vector_load %swap3A_1599[%swap3A_1600, %swap3A_1601] {strides = array<i32>} : memref<32x1024xf32, #tpu.memory_space<vmem>>, vector<1x16xf32>,
          %swap3A_1603 = vector.shape_cast %swap3A_1602 : vector<1x16xf32> to vector<1x16xf32>
          %swap3A_1604 = vector.shape_cast %get3A_1595 : vector<1x16xf32> to vector<1x16xf32>
          tpu.vector_store %swap3A_1599[%swap3A_1600, %swap3A_1601], %swap3A_1604 {strides = array<i32>} : memref<32x1024xf32, #tpu.memory_space<vmem>>, vector<1x16xf32>,
          %scan3A_1605 = arith.constant 52 : i32
          %mul3A_1606 = arith.constant 16 : i32
          %mul3A_1607 = arith.muli %scan3A_1605, %mul3A_1606 : i32
          %add3A_1608 = arith.constant 0 : i32
          %add3A_1609 = arith.addi %add3A_1608, %mul3A_1607 : i32
          %get3A_1610 = arith.constant 0 : i32
          %get3A_1611 = arith.constant 0 : i32
          %get3A_1612 = tpu.memref_slice %run_scoped3A[%rem3A_330, %get3A_1610, %get3A_1611] : memref<2x32x1024xf32, #tpu.memory_space<vmem>> -> memref<1x32x1024xf32, #tpu.memory_space<vmem>>
          %get3A_1613 = tpu.memref_squeeze %get3A_1612 : memref<1x32x1024xf32, #tpu.memory_space<vmem>> -> memref<32x1024xf32, #tpu.memory_space<vmem>>
          %get3A_1614 = arith.index_cast %add3A_462 : i32 to index
          %get3A_1615 = arith.index_cast %add3A_1609 : i32 to index
          %get3A_1616 = tpu.vector_load %get3A_1613[%get3A_1614, %get3A_1615] {strides = array<i32>} : memref<32x1024xf32, #tpu.memory_space<vmem>>, vector<1x16xf32>,
          %get3A_1617 = vector.shape_cast %get3A_1616 : vector<1x16xf32> to vector<1x16xf32>
          %swap3A_1618 = arith.constant 0 : i32
          %swap3A_1619 = arith.constant 0 : i32
          %swap3A_1620 = tpu.memref_slice %run_scoped3A_8[%rem3A_332, %swap3A_1618, %swap3A_1619] : memref<2x32x1024xf32, #tpu.memory_space<vmem>> -> memref<1x32x1024xf32, #tpu.memory_space<vmem>>
          %swap3A_1621 = tpu.memref_squeeze %swap3A_1620 : memref<1x32x1024xf32, #tpu.memory_space<vmem>> -> memref<32x1024xf32, #tpu.memory_space<vmem>>
          %swap3A_1622 = arith.index_cast %add3A_462 : i32 to index
          %swap3A_1623 = arith.index_cast %add3A_1609 : i32 to index
          %swap3A_1624 = tpu.vector_load %swap3A_1621[%swap3A_1622, %swap3A_1623] {strides = array<i32>} : memref<32x1024xf32, #tpu.memory_space<vmem>>, vector<1x16xf32>,
          %swap3A_1625 = vector.shape_cast %swap3A_1624 : vector<1x16xf32> to vector<1x16xf32>
          %swap3A_1626 = vector.shape_cast %get3A_1617 : vector<1x16xf32> to vector<1x16xf32>
          tpu.vector_store %swap3A_1621[%swap3A_1622, %swap3A_1623], %swap3A_1626 {strides = array<i32>} : memref<32x1024xf32, #tpu.memory_space<vmem>>, vector<1x16xf32>,
          %scan3A_1627 = arith.constant 53 : i32
          %mul3A_1628 = arith.constant 16 : i32
          %mul3A_1629 = arith.muli %scan3A_1627, %mul3A_1628 : i32
          %add3A_1630 = arith.constant 0 : i32
          %add3A_1631 = arith.addi %add3A_1630, %mul3A_1629 : i32
          %get3A_1632 = arith.constant 0 : i32
          %get3A_1633 = arith.constant 0 : i32
          %get3A_1634 = tpu.memref_slice %run_scoped3A[%rem3A_330, %get3A_1632, %get3A_1633] : memref<2x32x1024xf32, #tpu.memory_space<vmem>> -> memref<1x32x1024xf32, #tpu.memory_space<vmem>>
          %get3A_1635 = tpu.memref_squeeze %get3A_1634 : memref<1x32x1024xf32, #tpu.memory_space<vmem>> -> memref<32x1024xf32, #tpu.memory_space<vmem>>
          %get3A_1636 = arith.index_cast %add3A_462 : i32 to index
          %get3A_1637 = arith.index_cast %add3A_1631 : i32 to index
          %get3A_1638 = tpu.vector_load %get3A_1635[%get3A_1636, %get3A_1637] {strides = array<i32>} : memref<32x1024xf32, #tpu.memory_space<vmem>>, vector<1x16xf32>,
          %get3A_1639 = vector.shape_cast %get3A_1638 : vector<1x16xf32> to vector<1x16xf32>
          %swap3A_1640 = arith.constant 0 : i32
          %swap3A_1641 = arith.constant 0 : i32
          %swap3A_1642 = tpu.memref_slice %run_scoped3A_8[%rem3A_332, %swap3A_1640, %swap3A_1641] : memref<2x32x1024xf32, #tpu.memory_space<vmem>> -> memref<1x32x1024xf32, #tpu.memory_space<vmem>>
          %swap3A_1643 = tpu.memref_squeeze %swap3A_1642 : memref<1x32x1024xf32, #tpu.memory_space<vmem>> -> memref<32x1024xf32, #tpu.memory_space<vmem>>
          %swap3A_1644 = arith.index_cast %add3A_462 : i32 to index
          %swap3A_1645 = arith.index_cast %add3A_1631 : i32 to index
          %swap3A_1646 = tpu.vector_load %swap3A_1643[%swap3A_1644, %swap3A_1645] {strides = array<i32>} : memref<32x1024xf32, #tpu.memory_space<vmem>>, vector<1x16xf32>,
          %swap3A_1647 = vector.shape_cast %swap3A_1646 : vector<1x16xf32> to vector<1x16xf32>
          %swap3A_1648 = vector.shape_cast %get3A_1639 : vector<1x16xf32> to vector<1x16xf32>
          tpu.vector_store %swap3A_1643[%swap3A_1644, %swap3A_1645], %swap3A_1648 {strides = array<i32>} : memref<32x1024xf32, #tpu.memory_space<vmem>>, vector<1x16xf32>,
          %scan3A_1649 = arith.constant 54 : i32
          %mul3A_1650 = arith.constant 16 : i32
          %mul3A_1651 = arith.muli %scan3A_1649, %mul3A_1650 : i32
          %add3A_1652 = arith.constant 0 : i32
          %add3A_1653 = arith.addi %add3A_1652, %mul3A_1651 : i32
          %get3A_1654 = arith.constant 0 : i32
          %get3A_1655 = arith.constant 0 : i32
          %get3A_1656 = tpu.memref_slice %run_scoped3A[%rem3A_330, %get3A_1654, %get3A_1655] : memref<2x32x1024xf32, #tpu.memory_space<vmem>> -> memref<1x32x1024xf32, #tpu.memory_space<vmem>>
          %get3A_1657 = tpu.memref_squeeze %get3A_1656 : memref<1x32x1024xf32, #tpu.memory_space<vmem>> -> memref<32x1024xf32, #tpu.memory_space<vmem>>
          %get3A_1658 = arith.index_cast %add3A_462 : i32 to index
          %get3A_1659 = arith.index_cast %add3A_1653 : i32 to index
          %get3A_1660 = tpu.vector_load %get3A_1657[%get3A_1658, %get3A_1659] {strides = array<i32>} : memref<32x1024xf32, #tpu.memory_space<vmem>>, vector<1x16xf32>,
          %get3A_1661 = vector.shape_cast %get3A_1660 : vector<1x16xf32> to vector<1x16xf32>
          %swap3A_1662 = arith.constant 0 : i32
          %swap3A_1663 = arith.constant 0 : i32
          %swap3A_1664 = tpu.memref_slice %run_scoped3A_8[%rem3A_332, %swap3A_1662, %swap3A_1663] : memref<2x32x1024xf32, #tpu.memory_space<vmem>> -> memref<1x32x1024xf32, #tpu.memory_space<vmem>>
          %swap3A_1665 = tpu.memref_squeeze %swap3A_1664 : memref<1x32x1024xf32, #tpu.memory_space<vmem>> -> memref<32x1024xf32, #tpu.memory_space<vmem>>
          %swap3A_1666 = arith.index_cast %add3A_462 : i32 to index
          %swap3A_1667 = arith.index_cast %add3A_1653 : i32 to index
          %swap3A_1668 = tpu.vector_load %swap3A_1665[%swap3A_1666, %swap3A_1667] {strides = array<i32>} : memref<32x1024xf32, #tpu.memory_space<vmem>>, vector<1x16xf32>,
          %swap3A_1669 = vector.shape_cast %swap3A_1668 : vector<1x16xf32> to vector<1x16xf32>
          %swap3A_1670 = vector.shape_cast %get3A_1661 : vector<1x16xf32> to vector<1x16xf32>
          tpu.vector_store %swap3A_1665[%swap3A_1666, %swap3A_1667], %swap3A_1670 {strides = array<i32>} : memref<32x1024xf32, #tpu.memory_space<vmem>>, vector<1x16xf32>,
          %scan3A_1671 = arith.constant 55 : i32
          %mul3A_1672 = arith.constant 16 : i32
          %mul3A_1673 = arith.muli %scan3A_1671, %mul3A_1672 : i32
          %add3A_1674 = arith.constant 0 : i32
          %add3A_1675 = arith.addi %add3A_1674, %mul3A_1673 : i32
          %get3A_1676 = arith.constant 0 : i32
          %get3A_1677 = arith.constant 0 : i32
          %get3A_1678 = tpu.memref_slice %run_scoped3A[%rem3A_330, %get3A_1676, %get3A_1677] : memref<2x32x1024xf32, #tpu.memory_space<vmem>> -> memref<1x32x1024xf32, #tpu.memory_space<vmem>>
          %get3A_1679 = tpu.memref_squeeze %get3A_1678 : memref<1x32x1024xf32, #tpu.memory_space<vmem>> -> memref<32x1024xf32, #tpu.memory_space<vmem>>
          %get3A_1680 = arith.index_cast %add3A_462 : i32 to index
          %get3A_1681 = arith.index_cast %add3A_1675 : i32 to index
          %get3A_1682 = tpu.vector_load %get3A_1679[%get3A_1680, %get3A_1681] {strides = array<i32>} : memref<32x1024xf32, #tpu.memory_space<vmem>>, vector<1x16xf32>,
          %get3A_1683 = vector.shape_cast %get3A_1682 : vector<1x16xf32> to vector<1x16xf32>
          %swap3A_1684 = arith.constant 0 : i32
          %swap3A_1685 = arith.constant 0 : i32
          %swap3A_1686 = tpu.memref_slice %run_scoped3A_8[%rem3A_332, %swap3A_1684, %swap3A_1685] : memref<2x32x1024xf32, #tpu.memory_space<vmem>> -> memref<1x32x1024xf32, #tpu.memory_space<vmem>>
          %swap3A_1687 = tpu.memref_squeeze %swap3A_1686 : memref<1x32x1024xf32, #tpu.memory_space<vmem>> -> memref<32x1024xf32, #tpu.memory_space<vmem>>
          %swap3A_1688 = arith.index_cast %add3A_462 : i32 to index
          %swap3A_1689 = arith.index_cast %add3A_1675 : i32 to index
          %swap3A_1690 = tpu.vector_load %swap3A_1687[%swap3A_1688, %swap3A_1689] {strides = array<i32>} : memref<32x1024xf32, #tpu.memory_space<vmem>>, vector<1x16xf32>,
          %swap3A_1691 = vector.shape_cast %swap3A_1690 : vector<1x16xf32> to vector<1x16xf32>
          %swap3A_1692 = vector.shape_cast %get3A_1683 : vector<1x16xf32> to vector<1x16xf32>
          tpu.vector_store %swap3A_1687[%swap3A_1688, %swap3A_1689], %swap3A_1692 {strides = array<i32>} : memref<32x1024xf32, #tpu.memory_space<vmem>>, vector<1x16xf32>,
          %scan3A_1693 = arith.constant 56 : i32
          %mul3A_1694 = arith.constant 16 : i32
          %mul3A_1695 = arith.muli %scan3A_1693, %mul3A_1694 : i32
          %add3A_1696 = arith.constant 0 : i32
          %add3A_1697 = arith.addi %add3A_1696, %mul3A_1695 : i32
          %get3A_1698 = arith.constant 0 : i32
          %get3A_1699 = arith.constant 0 : i32
          %get3A_1700 = tpu.memref_slice %run_scoped3A[%rem3A_330, %get3A_1698, %get3A_1699] : memref<2x32x1024xf32, #tpu.memory_space<vmem>> -> memref<1x32x1024xf32, #tpu.memory_space<vmem>>
          %get3A_1701 = tpu.memref_squeeze %get3A_1700 : memref<1x32x1024xf32, #tpu.memory_space<vmem>> -> memref<32x1024xf32, #tpu.memory_space<vmem>>
          %get3A_1702 = arith.index_cast %add3A_462 : i32 to index
          %get3A_1703 = arith.index_cast %add3A_1697 : i32 to index
          %get3A_1704 = tpu.vector_load %get3A_1701[%get3A_1702, %get3A_1703] {strides = array<i32>} : memref<32x1024xf32, #tpu.memory_space<vmem>>, vector<1x16xf32>,
          %get3A_1705 = vector.shape_cast %get3A_1704 : vector<1x16xf32> to vector<1x16xf32>
          %swap3A_1706 = arith.constant 0 : i32
          %swap3A_1707 = arith.constant 0 : i32
          %swap3A_1708 = tpu.memref_slice %run_scoped3A_8[%rem3A_332, %swap3A_1706, %swap3A_1707] : memref<2x32x1024xf32, #tpu.memory_space<vmem>> -> memref<1x32x1024xf32, #tpu.memory_space<vmem>>
          %swap3A_1709 = tpu.memref_squeeze %swap3A_1708 : memref<1x32x1024xf32, #tpu.memory_space<vmem>> -> memref<32x1024xf32, #tpu.memory_space<vmem>>
          %swap3A_1710 = arith.index_cast %add3A_462 : i32 to index
          %swap3A_1711 = arith.index_cast %add3A_1697 : i32 to index
          %swap3A_1712 = tpu.vector_load %swap3A_1709[%swap3A_1710, %swap3A_1711] {strides = array<i32>} : memref<32x1024xf32, #tpu.memory_space<vmem>>, vector<1x16xf32>,
          %swap3A_1713 = vector.shape_cast %swap3A_1712 : vector<1x16xf32> to vector<1x16xf32>
          %swap3A_1714 = vector.shape_cast %get3A_1705 : vector<1x16xf32> to vector<1x16xf32>
          tpu.vector_store %swap3A_1709[%swap3A_1710, %swap3A_1711], %swap3A_1714 {strides = array<i32>} : memref<32x1024xf32, #tpu.memory_space<vmem>>, vector<1x16xf32>,
          %scan3A_1715 = arith.constant 57 : i32
          %mul3A_1716 = arith.constant 16 : i32
          %mul3A_1717 = arith.muli %scan3A_1715, %mul3A_1716 : i32
          %add3A_1718 = arith.constant 0 : i32
          %add3A_1719 = arith.addi %add3A_1718, %mul3A_1717 : i32
          %get3A_1720 = arith.constant 0 : i32
          %get3A_1721 = arith.constant 0 : i32
          %get3A_1722 = tpu.memref_slice %run_scoped3A[%rem3A_330, %get3A_1720, %get3A_1721] : memref<2x32x1024xf32, #tpu.memory_space<vmem>> -> memref<1x32x1024xf32, #tpu.memory_space<vmem>>
          %get3A_1723 = tpu.memref_squeeze %get3A_1722 : memref<1x32x1024xf32, #tpu.memory_space<vmem>> -> memref<32x1024xf32, #tpu.memory_space<vmem>>
          %get3A_1724 = arith.index_cast %add3A_462 : i32 to index
          %get3A_1725 = arith.index_cast %add3A_1719 : i32 to index
          %get3A_1726 = tpu.vector_load %get3A_1723[%get3A_1724, %get3A_1725] {strides = array<i32>} : memref<32x1024xf32, #tpu.memory_space<vmem>>, vector<1x16xf32>,
          %get3A_1727 = vector.shape_cast %get3A_1726 : vector<1x16xf32> to vector<1x16xf32>
          %swap3A_1728 = arith.constant 0 : i32
          %swap3A_1729 = arith.constant 0 : i32
          %swap3A_1730 = tpu.memref_slice %run_scoped3A_8[%rem3A_332, %swap3A_1728, %swap3A_1729] : memref<2x32x1024xf32, #tpu.memory_space<vmem>> -> memref<1x32x1024xf32, #tpu.memory_space<vmem>>
          %swap3A_1731 = tpu.memref_squeeze %swap3A_1730 : memref<1x32x1024xf32, #tpu.memory_space<vmem>> -> memref<32x1024xf32, #tpu.memory_space<vmem>>
          %swap3A_1732 = arith.index_cast %add3A_462 : i32 to index
          %swap3A_1733 = arith.index_cast %add3A_1719 : i32 to index
          %swap3A_1734 = tpu.vector_load %swap3A_1731[%swap3A_1732, %swap3A_1733] {strides = array<i32>} : memref<32x1024xf32, #tpu.memory_space<vmem>>, vector<1x16xf32>,
          %swap3A_1735 = vector.shape_cast %swap3A_1734 : vector<1x16xf32> to vector<1x16xf32>
          %swap3A_1736 = vector.shape_cast %get3A_1727 : vector<1x16xf32> to vector<1x16xf32>
          tpu.vector_store %swap3A_1731[%swap3A_1732, %swap3A_1733], %swap3A_1736 {strides = array<i32>} : memref<32x1024xf32, #tpu.memory_space<vmem>>, vector<1x16xf32>,
          %scan3A_1737 = arith.constant 58 : i32
          %mul3A_1738 = arith.constant 16 : i32
          %mul3A_1739 = arith.muli %scan3A_1737, %mul3A_1738 : i32
          %add3A_1740 = arith.constant 0 : i32
          %add3A_1741 = arith.addi %add3A_1740, %mul3A_1739 : i32
          %get3A_1742 = arith.constant 0 : i32
          %get3A_1743 = arith.constant 0 : i32
          %get3A_1744 = tpu.memref_slice %run_scoped3A[%rem3A_330, %get3A_1742, %get3A_1743] : memref<2x32x1024xf32, #tpu.memory_space<vmem>> -> memref<1x32x1024xf32, #tpu.memory_space<vmem>>
          %get3A_1745 = tpu.memref_squeeze %get3A_1744 : memref<1x32x1024xf32, #tpu.memory_space<vmem>> -> memref<32x1024xf32, #tpu.memory_space<vmem>>
          %get3A_1746 = arith.index_cast %add3A_462 : i32 to index
          %get3A_1747 = arith.index_cast %add3A_1741 : i32 to index
          %get3A_1748 = tpu.vector_load %get3A_1745[%get3A_1746, %get3A_1747] {strides = array<i32>} : memref<32x1024xf32, #tpu.memory_space<vmem>>, vector<1x16xf32>,
          %get3A_1749 = vector.shape_cast %get3A_1748 : vector<1x16xf32> to vector<1x16xf32>
          %swap3A_1750 = arith.constant 0 : i32
          %swap3A_1751 = arith.constant 0 : i32
          %swap3A_1752 = tpu.memref_slice %run_scoped3A_8[%rem3A_332, %swap3A_1750, %swap3A_1751] : memref<2x32x1024xf32, #tpu.memory_space<vmem>> -> memref<1x32x1024xf32, #tpu.memory_space<vmem>>
          %swap3A_1753 = tpu.memref_squeeze %swap3A_1752 : memref<1x32x1024xf32, #tpu.memory_space<vmem>> -> memref<32x1024xf32, #tpu.memory_space<vmem>>
          %swap3A_1754 = arith.index_cast %add3A_462 : i32 to index
          %swap3A_1755 = arith.index_cast %add3A_1741 : i32 to index
          %swap3A_1756 = tpu.vector_load %swap3A_1753[%swap3A_1754, %swap3A_1755] {strides = array<i32>} : memref<32x1024xf32, #tpu.memory_space<vmem>>, vector<1x16xf32>,
          %swap3A_1757 = vector.shape_cast %swap3A_1756 : vector<1x16xf32> to vector<1x16xf32>
          %swap3A_1758 = vector.shape_cast %get3A_1749 : vector<1x16xf32> to vector<1x16xf32>
          tpu.vector_store %swap3A_1753[%swap3A_1754, %swap3A_1755], %swap3A_1758 {strides = array<i32>} : memref<32x1024xf32, #tpu.memory_space<vmem>>, vector<1x16xf32>,
          %scan3A_1759 = arith.constant 59 : i32
          %mul3A_1760 = arith.constant 16 : i32
          %mul3A_1761 = arith.muli %scan3A_1759, %mul3A_1760 : i32
          %add3A_1762 = arith.constant 0 : i32
          %add3A_1763 = arith.addi %add3A_1762, %mul3A_1761 : i32
          %get3A_1764 = arith.constant 0 : i32
          %get3A_1765 = arith.constant 0 : i32
          %get3A_1766 = tpu.memref_slice %run_scoped3A[%rem3A_330, %get3A_1764, %get3A_1765] : memref<2x32x1024xf32, #tpu.memory_space<vmem>> -> memref<1x32x1024xf32, #tpu.memory_space<vmem>>
          %get3A_1767 = tpu.memref_squeeze %get3A_1766 : memref<1x32x1024xf32, #tpu.memory_space<vmem>> -> memref<32x1024xf32, #tpu.memory_space<vmem>>
          %get3A_1768 = arith.index_cast %add3A_462 : i32 to index
          %get3A_1769 = arith.index_cast %add3A_1763 : i32 to index
          %get3A_1770 = tpu.vector_load %get3A_1767[%get3A_1768, %get3A_1769] {strides = array<i32>} : memref<32x1024xf32, #tpu.memory_space<vmem>>, vector<1x16xf32>,
          %get3A_1771 = vector.shape_cast %get3A_1770 : vector<1x16xf32> to vector<1x16xf32>
          %swap3A_1772 = arith.constant 0 : i32
          %swap3A_1773 = arith.constant 0 : i32
          %swap3A_1774 = tpu.memref_slice %run_scoped3A_8[%rem3A_332, %swap3A_1772, %swap3A_1773] : memref<2x32x1024xf32, #tpu.memory_space<vmem>> -> memref<1x32x1024xf32, #tpu.memory_space<vmem>>
          %swap3A_1775 = tpu.memref_squeeze %swap3A_1774 : memref<1x32x1024xf32, #tpu.memory_space<vmem>> -> memref<32x1024xf32, #tpu.memory_space<vmem>>
          %swap3A_1776 = arith.index_cast %add3A_462 : i32 to index
          %swap3A_1777 = arith.index_cast %add3A_1763 : i32 to index
          %swap3A_1778 = tpu.vector_load %swap3A_1775[%swap3A_1776, %swap3A_1777] {strides = array<i32>} : memref<32x1024xf32, #tpu.memory_space<vmem>>, vector<1x16xf32>,
          %swap3A_1779 = vector.shape_cast %swap3A_1778 : vector<1x16xf32> to vector<1x16xf32>
          %swap3A_1780 = vector.shape_cast %get3A_1771 : vector<1x16xf32> to vector<1x16xf32>
          tpu.vector_store %swap3A_1775[%swap3A_1776, %swap3A_1777], %swap3A_1780 {strides = array<i32>} : memref<32x1024xf32, #tpu.memory_space<vmem>>, vector<1x16xf32>,
          %scan3A_1781 = arith.constant 60 : i32
          %mul3A_1782 = arith.constant 16 : i32
          %mul3A_1783 = arith.muli %scan3A_1781, %mul3A_1782 : i32
          %add3A_1784 = arith.constant 0 : i32
          %add3A_1785 = arith.addi %add3A_1784, %mul3A_1783 : i32
          %get3A_1786 = arith.constant 0 : i32
          %get3A_1787 = arith.constant 0 : i32
          %get3A_1788 = tpu.memref_slice %run_scoped3A[%rem3A_330, %get3A_1786, %get3A_1787] : memref<2x32x1024xf32, #tpu.memory_space<vmem>> -> memref<1x32x1024xf32, #tpu.memory_space<vmem>>
          %get3A_1789 = tpu.memref_squeeze %get3A_1788 : memref<1x32x1024xf32, #tpu.memory_space<vmem>> -> memref<32x1024xf32, #tpu.memory_space<vmem>>
          %get3A_1790 = arith.index_cast %add3A_462 : i32 to index
          %get3A_1791 = arith.index_cast %add3A_1785 : i32 to index
          %get3A_1792 = tpu.vector_load %get3A_1789[%get3A_1790, %get3A_1791] {strides = array<i32>} : memref<32x1024xf32, #tpu.memory_space<vmem>>, vector<1x16xf32>,
          %get3A_1793 = vector.shape_cast %get3A_1792 : vector<1x16xf32> to vector<1x16xf32>
          %swap3A_1794 = arith.constant 0 : i32
          %swap3A_1795 = arith.constant 0 : i32
          %swap3A_1796 = tpu.memref_slice %run_scoped3A_8[%rem3A_332, %swap3A_1794, %swap3A_1795] : memref<2x32x1024xf32, #tpu.memory_space<vmem>> -> memref<1x32x1024xf32, #tpu.memory_space<vmem>>
          %swap3A_1797 = tpu.memref_squeeze %swap3A_1796 : memref<1x32x1024xf32, #tpu.memory_space<vmem>> -> memref<32x1024xf32, #tpu.memory_space<vmem>>
          %swap3A_1798 = arith.index_cast %add3A_462 : i32 to index
          %swap3A_1799 = arith.index_cast %add3A_1785 : i32 to index
          %swap3A_1800 = tpu.vector_load %swap3A_1797[%swap3A_1798, %swap3A_1799] {strides = array<i32>} : memref<32x1024xf32, #tpu.memory_space<vmem>>, vector<1x16xf32>,
          %swap3A_1801 = vector.shape_cast %swap3A_1800 : vector<1x16xf32> to vector<1x16xf32>
          %swap3A_1802 = vector.shape_cast %get3A_1793 : vector<1x16xf32> to vector<1x16xf32>
          tpu.vector_store %swap3A_1797[%swap3A_1798, %swap3A_1799], %swap3A_1802 {strides = array<i32>} : memref<32x1024xf32, #tpu.memory_space<vmem>>, vector<1x16xf32>,
          %scan3A_1803 = arith.constant 61 : i32
          %mul3A_1804 = arith.constant 16 : i32
          %mul3A_1805 = arith.muli %scan3A_1803, %mul3A_1804 : i32
          %add3A_1806 = arith.constant 0 : i32
          %add3A_1807 = arith.addi %add3A_1806, %mul3A_1805 : i32
          %get3A_1808 = arith.constant 0 : i32
          %get3A_1809 = arith.constant 0 : i32
          %get3A_1810 = tpu.memref_slice %run_scoped3A[%rem3A_330, %get3A_1808, %get3A_1809] : memref<2x32x1024xf32, #tpu.memory_space<vmem>> -> memref<1x32x1024xf32, #tpu.memory_space<vmem>>
          %get3A_1811 = tpu.memref_squeeze %get3A_1810 : memref<1x32x1024xf32, #tpu.memory_space<vmem>> -> memref<32x1024xf32, #tpu.memory_space<vmem>>
          %get3A_1812 = arith.index_cast %add3A_462 : i32 to index
          %get3A_1813 = arith.index_cast %add3A_1807 : i32 to index
          %get3A_1814 = tpu.vector_load %get3A_1811[%get3A_1812, %get3A_1813] {strides = array<i32>} : memref<32x1024xf32, #tpu.memory_space<vmem>>, vector<1x16xf32>,
          %get3A_1815 = vector.shape_cast %get3A_1814 : vector<1x16xf32> to vector<1x16xf32>
          %swap3A_1816 = arith.constant 0 : i32
          %swap3A_1817 = arith.constant 0 : i32
          %swap3A_1818 = tpu.memref_slice %run_scoped3A_8[%rem3A_332, %swap3A_1816, %swap3A_1817] : memref<2x32x1024xf32, #tpu.memory_space<vmem>> -> memref<1x32x1024xf32, #tpu.memory_space<vmem>>
          %swap3A_1819 = tpu.memref_squeeze %swap3A_1818 : memref<1x32x1024xf32, #tpu.memory_space<vmem>> -> memref<32x1024xf32, #tpu.memory_space<vmem>>
          %swap3A_1820 = arith.index_cast %add3A_462 : i32 to index
          %swap3A_1821 = arith.index_cast %add3A_1807 : i32 to index
          %swap3A_1822 = tpu.vector_load %swap3A_1819[%swap3A_1820, %swap3A_1821] {strides = array<i32>} : memref<32x1024xf32, #tpu.memory_space<vmem>>, vector<1x16xf32>,
          %swap3A_1823 = vector.shape_cast %swap3A_1822 : vector<1x16xf32> to vector<1x16xf32>
          %swap3A_1824 = vector.shape_cast %get3A_1815 : vector<1x16xf32> to vector<1x16xf32>
          tpu.vector_store %swap3A_1819[%swap3A_1820, %swap3A_1821], %swap3A_1824 {strides = array<i32>} : memref<32x1024xf32, #tpu.memory_space<vmem>>, vector<1x16xf32>,
          %scan3A_1825 = arith.constant 62 : i32
          %mul3A_1826 = arith.constant 16 : i32
          %mul3A_1827 = arith.muli %scan3A_1825, %mul3A_1826 : i32
          %add3A_1828 = arith.constant 0 : i32
          %add3A_1829 = arith.addi %add3A_1828, %mul3A_1827 : i32
          %get3A_1830 = arith.constant 0 : i32
          %get3A_1831 = arith.constant 0 : i32
          %get3A_1832 = tpu.memref_slice %run_scoped3A[%rem3A_330, %get3A_1830, %get3A_1831] : memref<2x32x1024xf32, #tpu.memory_space<vmem>> -> memref<1x32x1024xf32, #tpu.memory_space<vmem>>
          %get3A_1833 = tpu.memref_squeeze %get3A_1832 : memref<1x32x1024xf32, #tpu.memory_space<vmem>> -> memref<32x1024xf32, #tpu.memory_space<vmem>>
          %get3A_1834 = arith.index_cast %add3A_462 : i32 to index
          %get3A_1835 = arith.index_cast %add3A_1829 : i32 to index
          %get3A_1836 = tpu.vector_load %get3A_1833[%get3A_1834, %get3A_1835] {strides = array<i32>} : memref<32x1024xf32, #tpu.memory_space<vmem>>, vector<1x16xf32>,
          %get3A_1837 = vector.shape_cast %get3A_1836 : vector<1x16xf32> to vector<1x16xf32>
          %swap3A_1838 = arith.constant 0 : i32
          %swap3A_1839 = arith.constant 0 : i32
          %swap3A_1840 = tpu.memref_slice %run_scoped3A_8[%rem3A_332, %swap3A_1838, %swap3A_1839] : memref<2x32x1024xf32, #tpu.memory_space<vmem>> -> memref<1x32x1024xf32, #tpu.memory_space<vmem>>
          %swap3A_1841 = tpu.memref_squeeze %swap3A_1840 : memref<1x32x1024xf32, #tpu.memory_space<vmem>> -> memref<32x1024xf32, #tpu.memory_space<vmem>>
          %swap3A_1842 = arith.index_cast %add3A_462 : i32 to index
          %swap3A_1843 = arith.index_cast %add3A_1829 : i32 to index
          %swap3A_1844 = tpu.vector_load %swap3A_1841[%swap3A_1842, %swap3A_1843] {strides = array<i32>} : memref<32x1024xf32, #tpu.memory_space<vmem>>, vector<1x16xf32>,
          %swap3A_1845 = vector.shape_cast %swap3A_1844 : vector<1x16xf32> to vector<1x16xf32>
          %swap3A_1846 = vector.shape_cast %get3A_1837 : vector<1x16xf32> to vector<1x16xf32>
          tpu.vector_store %swap3A_1841[%swap3A_1842, %swap3A_1843], %swap3A_1846 {strides = array<i32>} : memref<32x1024xf32, #tpu.memory_space<vmem>>, vector<1x16xf32>,
          %scan3A_1847 = arith.constant 63 : i32
          %mul3A_1848 = arith.constant 16 : i32
          %mul3A_1849 = arith.muli %scan3A_1847, %mul3A_1848 : i32
          %add3A_1850 = arith.constant 0 : i32
          %add3A_1851 = arith.addi %add3A_1850, %mul3A_1849 : i32
          %get3A_1852 = arith.constant 0 : i32
          %get3A_1853 = arith.constant 0 : i32
          %get3A_1854 = tpu.memref_slice %run_scoped3A[%rem3A_330, %get3A_1852, %get3A_1853] : memref<2x32x1024xf32, #tpu.memory_space<vmem>> -> memref<1x32x1024xf32, #tpu.memory_space<vmem>>
          %get3A_1855 = tpu.memref_squeeze %get3A_1854 : memref<1x32x1024xf32, #tpu.memory_space<vmem>> -> memref<32x1024xf32, #tpu.memory_space<vmem>>
          %get3A_1856 = arith.index_cast %add3A_462 : i32 to index
          %get3A_1857 = arith.index_cast %add3A_1851 : i32 to index
          %get3A_1858 = tpu.vector_load %get3A_1855[%get3A_1856, %get3A_1857] {strides = array<i32>} : memref<32x1024xf32, #tpu.memory_space<vmem>>, vector<1x16xf32>,
          %get3A_1859 = vector.shape_cast %get3A_1858 : vector<1x16xf32> to vector<1x16xf32>
          %swap3A_1860 = arith.constant 0 : i32
          %swap3A_1861 = arith.constant 0 : i32
          %swap3A_1862 = tpu.memref_slice %run_scoped3A_8[%rem3A_332, %swap3A_1860, %swap3A_1861] : memref<2x32x1024xf32, #tpu.memory_space<vmem>> -> memref<1x32x1024xf32, #tpu.memory_space<vmem>>
          %swap3A_1863 = tpu.memref_squeeze %swap3A_1862 : memref<1x32x1024xf32, #tpu.memory_space<vmem>> -> memref<32x1024xf32, #tpu.memory_space<vmem>>
          %swap3A_1864 = arith.index_cast %add3A_462 : i32 to index
          %swap3A_1865 = arith.index_cast %add3A_1851 : i32 to index
          %swap3A_1866 = tpu.vector_load %swap3A_1863[%swap3A_1864, %swap3A_1865] {strides = array<i32>} : memref<32x1024xf32, #tpu.memory_space<vmem>>, vector<1x16xf32>,
          %swap3A_1867 = vector.shape_cast %swap3A_1866 : vector<1x16xf32> to vector<1x16xf32>
          %swap3A_1868 = vector.shape_cast %get3A_1859 : vector<1x16xf32> to vector<1x16xf32>
          tpu.vector_store %swap3A_1863[%swap3A_1864, %swap3A_1865], %swap3A_1868 {strides = array<i32>} : memref<32x1024xf32, #tpu.memory_space<vmem>>, vector<1x16xf32>,
          %scan3A_1869 = arith.constant 64 : i32
        }
        %scan3A_337 = arith.constant 32 : i32
        "tpu.trace_stop"() : () -> ()
        %sub3A_338 = arith.constant 7 : i32
        %sub3A_339 = arith.subi %sub3A_338, %add3A_202 : i32
        %mul3A_340 = arith.constant 64 : i32
        %mul3A_341 = arith.muli %sub3A_339, %mul3A_340 : i32
        %add3A_342 = arith.addi %mul3A_341, %add3A_203 : i32
        %sub3A_343 = arith.constant 7 : i32
        %sub3A_344 = arith.subi %sub3A_343, %add3A_238 : i32
        %mul3A_345 = arith.constant 64 : i32
        %mul3A_346 = arith.muli %sub3A_344, %mul3A_345 : i32
        %add3A_347 = arith.addi %mul3A_346, %add3A_239 : i32
        %ne3A_348 = arith.cmpi ne, %add3A_342, %add3A_347 : i32
        %or3A_349 = arith.constant false
        %or3A_350 = arith.ori %or3A_349, %ne3A_348 : i1
        %or3A_351 = arith.constant false
        %or3A_352 = arith.ori %or3A_350, %or3A_351 : i1
        %or3A_353 = arith.ori %or3A_352, %eq3A_200 : i1
        %convert_element_type3A_354 = arith.extui %or3A_353 : i1 to i32
        %cond3A_355 = arith.constant 0 : i32
        %cond3A_356 = arith.cmpi ne, %convert_element_type3A_354, %cond3A_355 : i32
        scf.if %cond3A_356 {
        } else {
        }
        %and3A_357 = arith.constant false
        %and3A_358 = arith.andi %or3A_353, %and3A_357 : i1
        %mul3A_359 = arith.constant 64 : i32
        %mul3A_360 = arith.muli %add3A_202, %mul3A_359 : i32
        %add3A_361 = arith.addi %mul3A_360, %add3A_203 : i32
        %mul3A_362 = arith.constant 64 : i32
        %mul3A_363 = arith.muli %add3A_238, %mul3A_362 : i32
        %add3A_364 = arith.addi %mul3A_363, %add3A_239 : i32
        %ne3A_365 = arith.cmpi ne, %add3A_361, %add3A_364 : i32
        %or3A_366 = arith.constant false
        %or3A_367 = arith.ori %or3A_366, %ne3A_365 : i1
        %or3A_368 = arith.constant false
        %or3A_369 = arith.ori %or3A_367, %or3A_368 : i1
        %or3A_370 = arith.ori %or3A_369, %eq3A_200 : i1
        %convert_element_type3A_371 = arith.extui %or3A_370 : i1 to i32
        %cond3A_372 = arith.constant 0 : i32
        %cond3A_373 = arith.cmpi ne, %convert_element_type3A_371, %cond3A_372 : i32
        scf.if %cond3A_373 {
          "tpu.trace_start"() <{level = 10 : i32, message = "ep_copy_out"}> : () -> ()
          %rem3A_458 = arith.constant 2 : i32
          %rem3A_459 = arith.remui %scan3A_193, %rem3A_458 : i32
          %mul3A_460 = arith.constant 64 : i32
          %mul3A_461 = arith.muli %add3A_202, %mul3A_460 : i32
          %add3A_462 = arith.addi %mul3A_461, %add3A_203 : i32
          %mul3A_463 = arith.constant 32 : i32
          %mul3A_464 = arith.muli %mul3A_463, %add3A_462 : i32
          %dma_start3A_465 = arith.constant 0 : i32
          %dma_start3A_466 = arith.constant 0 : i32
          %dma_start3A_467 = tpu.memref_slice %run_scoped3A_8[%rem3A_459, %dma_start3A_465, %dma_start3A_466] : memref<2x32x1024xf32, #tpu.memory_space<vmem>> -> memref<1x32x1024xf32, #tpu.memory_space<vmem>>
          %dma_start3A_468 = tpu.memref_squeeze %dma_start3A_467 : memref<1x32x1024xf32, #tpu.memory_space<vmem>> -> memref<32x1024xf32, #tpu.memory_space<vmem>>
          %dma_start3A_469 = arith.constant 0 : i32
          %dma_start3A_470 = tpu.memref_slice %arg3[%mul3A_464, %dma_start3A_469] : memref<16384x1024xf32, #tpu.memory_space<hbm>> -> memref<32x1024xf32, #tpu.memory_space<hbm>>
          %dma_start3A_471 = tpu.memref_slice %run_scoped3A_9[%rem3A_459] : memref<2x!tpu.dma_semaphore, #tpu.memory_space<semaphore_mem>> -> memref<1x!tpu.dma_semaphore, #tpu.memory_space<semaphore_mem>>
          %dma_start3A_472 = tpu.memref_squeeze %dma_start3A_471 : memref<1x!tpu.dma_semaphore, #tpu.memory_space<semaphore_mem>> -> memref<!tpu.dma_semaphore, #tpu.memory_space<semaphore_mem>>
          %dma_start3A_473 = arith.constant 0 : i32
          %dma_start3A_474 = tpu.memref_slice %arg3[%mul3A_464, %dma_start3A_473] : memref<16384x1024xf32, #tpu.memory_space<hbm>> -> memref<32x1024xf32, #tpu.memory_space<hbm>>
          %dma_start3A_475 = arith.constant 0 : i32
          %dma_start3A_476 = arith.constant 0 : i32
          %dma_start3A_477 = tpu.memref_slice %run_scoped3A_8[%rem3A_459, %dma_start3A_475, %dma_start3A_476] : memref<2x32x1024xf32, #tpu.memory_space<vmem>> -> memref<1x32x1024xf32, #tpu.memory_space<vmem>>
          %dma_start3A_478 = tpu.memref_squeeze %dma_start3A_477 : memref<1x32x1024xf32, #tpu.memory_space<vmem>> -> memref<32x1024xf32, #tpu.memory_space<vmem>>
          tpu.enqueue_dma source(%dma_start3A_478 : memref<32x1024xf32, #tpu.memory_space<vmem>>) target(%dma_start3A_474 : memref<32x1024xf32, #tpu.memory_space<hbm>>) target_semaphore(%dma_start3A_472 : memref<!tpu.dma_semaphore, #tpu.memory_space<semaphore_mem>>)
          "tpu.trace_stop"() : () -> ()
        } else {
        }
        %and3A_374 = arith.constant true
        %and3A_375 = arith.andi %or3A_370, %and3A_374 : i1
        %add3A_376 = arith.constant 1 : i32
        %add3A_377 = arith.addi %scan3A_193, %add3A_376 : i32
        %select_n3A_378 = arith.select %and3A_375, %add3A_377, %scan3A_193 : i32
        %sub3A_379 = arith.constant 7 : i32
        %sub3A_380 = arith.subi %sub3A_379, %add3A_202 : i32
        %mul3A_381 = arith.constant 64 : i32
        %mul3A_382 = arith.muli %sub3A_380, %mul3A_381 : i32
        %add3A_383 = arith.addi %mul3A_382, %add3A_203 : i32
        %sub3A_384 = arith.constant 7 : i32
        %sub3A_385 = arith.subi %sub3A_384, %add3A_220 : i32
        %mul3A_386 = arith.constant 64 : i32
        %mul3A_387 = arith.muli %sub3A_385, %mul3A_386 : i32
        %add3A_388 = arith.addi %mul3A_387, %add3A_221 : i32
        %ne3A_389 = arith.cmpi ne, %add3A_383, %add3A_388 : i32
        %or3A_390 = arith.constant false
        %or3A_391 = arith.ori %or3A_390, %ne3A_389 : i1
        %or3A_392 = arith.constant false
        %or3A_393 = arith.ori %or3A_391, %or3A_392 : i1
        %not3A_394 = arith.constant true
        %not3A_395 = arith.xori %eq3A_198, %not3A_394 : i1
        %and3A_396 = arith.andi %or3A_393, %not3A_395 : i1
        %convert_element_type3A_397 = arith.extui %and3A_396 : i1 to i32
        %cond3A_398 = arith.constant 0 : i32
        %cond3A_399 = arith.cmpi ne, %convert_element_type3A_397, %cond3A_398 : i32
        scf.if %cond3A_399 {
        } else {
        }
        %and3A_400 = arith.constant false
        %and3A_401 = arith.andi %and3A_396, %and3A_400 : i1
        %mul3A_402 = arith.constant 64 : i32
        %mul3A_403 = arith.muli %add3A_202, %mul3A_402 : i32
        %add3A_404 = arith.addi %mul3A_403, %add3A_203 : i32
        %mul3A_405 = arith.constant 64 : i32
        %mul3A_406 = arith.muli %add3A_220, %mul3A_405 : i32
        %add3A_407 = arith.addi %mul3A_406, %add3A_221 : i32
        %ne3A_408 = arith.cmpi ne, %add3A_404, %add3A_407 : i32
        %or3A_409 = arith.constant false
        %or3A_410 = arith.ori %or3A_409, %ne3A_408 : i1
        %or3A_411 = arith.constant false
        %or3A_412 = arith.ori %or3A_410, %or3A_411 : i1
        %not3A_413 = arith.constant true
        %not3A_414 = arith.xori %eq3A_198, %not3A_413 : i1
        %and3A_415 = arith.andi %or3A_412, %not3A_414 : i1
        %convert_element_type3A_416 = arith.extui %and3A_415 : i1 to i32
        %cond3A_417 = arith.constant 0 : i32
        %cond3A_418 = arith.cmpi ne, %convert_element_type3A_416, %cond3A_417 : i32
        scf.if %cond3A_418 {
          "tpu.trace_start"() <{level = 10 : i32, message = "ep_wait_out"}> : () -> ()
          %rem3A_458 = arith.constant 2 : i32
          %rem3A_459 = arith.remui %scan3A_194, %rem3A_458 : i32
          %mul3A_460 = arith.constant 64 : i32
          %mul3A_461 = arith.muli %add3A_220, %mul3A_460 : i32
          %add3A_462 = arith.addi %mul3A_461, %add3A_221 : i32
          %mul3A_463 = arith.constant 32 : i32
          %mul3A_464 = arith.muli %mul3A_463, %add3A_462 : i32
          %dma_wait3A_465 = arith.constant 0 : i32
          %dma_wait3A_466 = arith.constant 0 : i32
          %dma_wait3A_467 = tpu.memref_slice %run_scoped3A_8[%rem3A_459, %dma_wait3A_465, %dma_wait3A_466] : memref<2x32x1024xf32, #tpu.memory_space<vmem>> -> memref<1x32x1024xf32, #tpu.memory_space<vmem>>
          %dma_wait3A_468 = tpu.memref_squeeze %dma_wait3A_467 : memref<1x32x1024xf32, #tpu.memory_space<vmem>> -> memref<32x1024xf32, #tpu.memory_space<vmem>>
          %dma_wait3A_469 = arith.constant 0 : i32
          %dma_wait3A_470 = tpu.memref_slice %arg3[%mul3A_464, %dma_wait3A_469] : memref<16384x1024xf32, #tpu.memory_space<hbm>> -> memref<32x1024xf32, #tpu.memory_space<hbm>>
          %dma_wait3A_471 = tpu.memref_slice %run_scoped3A_9[%rem3A_459] : memref<2x!tpu.dma_semaphore, #tpu.memory_space<semaphore_mem>> -> memref<1x!tpu.dma_semaphore, #tpu.memory_space<semaphore_mem>>
          %dma_wait3A_472 = tpu.memref_squeeze %dma_wait3A_471 : memref<1x!tpu.dma_semaphore, #tpu.memory_space<semaphore_mem>> -> memref<!tpu.dma_semaphore, #tpu.memory_space<semaphore_mem>>
          %dma_wait3A_473 = arith.constant 0 : i32
          %dma_wait3A_474 = tpu.memref_slice %arg3[%mul3A_464, %dma_wait3A_473] : memref<16384x1024xf32, #tpu.memory_space<hbm>> -> memref<32x1024xf32, #tpu.memory_space<hbm>>
          %dma_wait3A_475 = arith.constant 0 : i32
          %dma_wait3A_476 = arith.constant 0 : i32
          %dma_wait3A_477 = tpu.memref_slice %run_scoped3A_8[%rem3A_459, %dma_wait3A_475, %dma_wait3A_476] : memref<2x32x1024xf32, #tpu.memory_space<vmem>> -> memref<1x32x1024xf32, #tpu.memory_space<vmem>>
          %dma_wait3A_478 = tpu.memref_squeeze %dma_wait3A_477 : memref<1x32x1024xf32, #tpu.memory_space<vmem>> -> memref<32x1024xf32, #tpu.memory_space<vmem>>
          tpu.wait_dma2 semaphore(%dma_wait3A_472 : memref<!tpu.dma_semaphore, #tpu.memory_space<semaphore_mem>>) src(%dma_wait3A_478 : memref<32x1024xf32, #tpu.memory_space<vmem>>) dst(%dma_wait3A_474 : memref<32x1024xf32, #tpu.memory_space<hbm>>)
          "tpu.trace_stop"() : () -> ()
        } else {
        }
        %and3A_419 = arith.constant true
        %and3A_420 = arith.andi %and3A_415, %and3A_419 : i1
        %add3A_421 = arith.constant 1 : i32
        %add3A_422 = arith.addi %scan3A_194, %add3A_421 : i32
        %select_n3A_423 = arith.select %and3A_420, %add3A_422, %scan3A_194 : i32
        %sub3A_424 = arith.constant 7 : i32
        %sub3A_425 = arith.subi %sub3A_424, %add3A_202 : i32
        %mul3A_426 = arith.constant 64 : i32
        %mul3A_427 = arith.muli %sub3A_425, %mul3A_426 : i32
        %add3A_428 = arith.addi %mul3A_427, %add3A_203 : i32
        %sub3A_429 = arith.constant 7 : i32
        %sub3A_430 = arith.subi %sub3A_429, %add3A_238 : i32
        %mul3A_431 = arith.constant 64 : i32
        %mul3A_432 = arith.muli %sub3A_430, %mul3A_431 : i32
        %add3A_433 = arith.addi %mul3A_432, %add3A_239 : i32
        %ne3A_434 = arith.cmpi ne, %add3A_428, %add3A_433 : i32
        %or3A_435 = arith.constant false
        %or3A_436 = arith.ori %or3A_435, %ne3A_434 : i1
        %or3A_437 = arith.constant false
        %or3A_438 = arith.ori %or3A_436, %or3A_437 : i1
        %or3A_439 = arith.ori %or3A_438, %eq3A_200 : i1
        %add3A_440 = arith.constant 1 : i32
        %add3A_441 = arith.addi %scan3A_192, %add3A_440 : i32
        %select_n3A_442 = arith.select %or3A_439, %add3A_441, %scan3A_192 : i32
        %add3A_443 = arith.constant 1 : i32
        %add3A_444 = arith.addi %scan3A_196, %add3A_443 : i32
        %select_n3A_445 = arith.constant true
        %select_n3A_446 = arith.select %select_n3A_445, %add3A_444, %scan3A_196 : i32
        %eq3A_447 = arith.constant 2 : i32
        %eq3A_448 = arith.cmpi eq, %select_n3A_446, %eq3A_447 : i32
        %select_n3A_449 = arith.constant 0 : i32
        %select_n3A_450 = arith.select %eq3A_448, %select_n3A_449, %select_n3A_446 : i32
        %add3A_451 = arith.constant 1 : i32
        %add3A_452 = arith.addi %scan3A_195, %add3A_451 : i32
        %select_n3A_453 = arith.select %eq3A_448, %add3A_452, %scan3A_195 : i32
        %eq3A_454 = arith.constant 8 : i32
        %eq3A_455 = arith.cmpi eq, %select_n3A_453, %eq3A_454 : i32
        %select_n3A_456 = arith.constant 0 : i32
        %select_n3A_457 = arith.select %eq3A_455, %select_n3A_456, %select_n3A_453 : i32
        scf.yield %select_n3A_278, %select_n3A_442, %select_n3A_378, %select_n3A_423, %select_n3A_457, %select_n3A_450 : i32, i32, i32, i32, i32, i32
      }
      %scan3A_98 = arith.constant 16 : i32
      %sub3A = arith.constant 1 : i32
      %sub3A_99 = arith.subi %scan3A_97#5, %sub3A : i32
      %select_n3A_100 = arith.constant true
      %select_n3A_101 = arith.select %select_n3A_100, %sub3A_99, %scan3A_97#5 : i32
      %eq3A_102 = arith.constant -1 : i32
      %eq3A_103 = arith.cmpi eq, %select_n3A_101, %eq3A_102 : i32
      %select_n3A_104 = arith.constant 1 : i32
      %select_n3A_105 = arith.select %eq3A_103, %select_n3A_104, %select_n3A_101 : i32
      %sub3A_106 = arith.constant 1 : i32
      %sub3A_107 = arith.subi %scan3A_97#4, %sub3A_106 : i32
      %select_n3A_108 = arith.select %eq3A_103, %sub3A_107, %scan3A_97#4 : i32
      %eq3A_109 = arith.constant -1 : i32
      %eq3A_110 = arith.cmpi eq, %select_n3A_108, %eq3A_109 : i32
      %select_n3A_111 = arith.constant 7 : i32
      %select_n3A_112 = arith.select %eq3A_110, %select_n3A_111, %select_n3A_108 : i32
      %add3A_113 = arith.constant 0 : i32
      %add3A_114 = arith.addi %select_n3A_112, %add3A_113 : i32
      %add3A_115 = arith.addi %select_n3A_105, %mul3A_6 : i32
      %sub3A_116 = arith.constant 1 : i32
      %sub3A_117 = arith.subi %select_n3A_105, %sub3A_116 : i32
      %select_n3A_118 = arith.constant true
      %select_n3A_119 = arith.select %select_n3A_118, %sub3A_117, %select_n3A_105 : i32
      %eq3A_120 = arith.constant -1 : i32
      %eq3A_121 = arith.cmpi eq, %select_n3A_119, %eq3A_120 : i32
      %select_n3A_122 = arith.constant 1 : i32
      %select_n3A_123 = arith.select %eq3A_121, %select_n3A_122, %select_n3A_119 : i32
      %sub3A_124 = arith.constant 1 : i32
      %sub3A_125 = arith.subi %select_n3A_112, %sub3A_124 : i32
      %select_n3A_126 = arith.select %eq3A_121, %sub3A_125, %select_n3A_112 : i32
      %eq3A_127 = arith.constant -1 : i32
      %eq3A_128 = arith.cmpi eq, %select_n3A_126, %eq3A_127 : i32
      %select_n3A_129 = arith.constant 7 : i32
      %select_n3A_130 = arith.select %eq3A_128, %select_n3A_129, %select_n3A_126 : i32
      %add3A_131 = arith.constant 0 : i32
      %add3A_132 = arith.addi %select_n3A_130, %add3A_131 : i32
      %add3A_133 = arith.addi %select_n3A_123, %mul3A_6 : i32
      %add3A_134 = arith.constant 1 : i32
      %add3A_135 = arith.addi %select_n3A_105, %add3A_134 : i32
      %select_n3A_136 = arith.constant true
      %select_n3A_137 = arith.select %select_n3A_136, %add3A_135, %select_n3A_105 : i32
      %eq3A_138 = arith.constant 2 : i32
      %eq3A_139 = arith.cmpi eq, %select_n3A_137, %eq3A_138 : i32
      %select_n3A_140 = arith.constant 0 : i32
      %select_n3A_141 = arith.select %eq3A_139, %select_n3A_140, %select_n3A_137 : i32
      %add3A_142 = arith.constant 1 : i32
      %add3A_143 = arith.addi %select_n3A_112, %add3A_142 : i32
      %select_n3A_144 = arith.select %eq3A_139, %add3A_143, %select_n3A_112 : i32
      %eq3A_145 = arith.constant 8 : i32
      %eq3A_146 = arith.cmpi eq, %select_n3A_144, %eq3A_145 : i32
      %select_n3A_147 = arith.constant 0 : i32
      %select_n3A_148 = arith.select %eq3A_146, %select_n3A_147, %select_n3A_144 : i32
      %add3A_149 = arith.constant 0 : i32
      %add3A_150 = arith.addi %select_n3A_148, %add3A_149 : i32
      %add3A_151 = arith.addi %select_n3A_141, %mul3A_6 : i32
      %add3A_152 = arith.constant 1 : i32
      %add3A_153 = arith.addi %select_n3A_141, %add3A_152 : i32
      %select_n3A_154 = arith.constant true
      %select_n3A_155 = arith.select %select_n3A_154, %add3A_153, %select_n3A_141 : i32
      %eq3A_156 = arith.constant 2 : i32
      %eq3A_157 = arith.cmpi eq, %select_n3A_155, %eq3A_156 : i32
      %select_n3A_158 = arith.constant 0 : i32
      %select_n3A_159 = arith.select %eq3A_157, %select_n3A_158, %select_n3A_155 : i32
      %add3A_160 = arith.constant 1 : i32
      %add3A_161 = arith.addi %select_n3A_148, %add3A_160 : i32
      %select_n3A_162 = arith.select %eq3A_157, %add3A_161, %select_n3A_148 : i32
      %eq3A_163 = arith.constant 8 : i32
      %eq3A_164 = arith.cmpi eq, %select_n3A_162, %eq3A_163 : i32
      %select_n3A_165 = arith.constant 0 : i32
      %select_n3A_166 = arith.select %eq3A_164, %select_n3A_165, %select_n3A_162 : i32
      %add3A_167 = arith.constant 0 : i32
      %add3A_168 = arith.addi %select_n3A_166, %add3A_167 : i32
      %add3A_169 = arith.addi %select_n3A_159, %mul3A_6 : i32
      "tpu.trace_start"() <{level = 10 : i32, message = "ep_finalize"}> : () -> ()
      %rem3A_170 = arith.constant 2 : i32
      %rem3A_171 = arith.remui %scan3A_97#3, %rem3A_170 : i32
      %mul3A_172 = arith.constant 64 : i32
      %mul3A_173 = arith.muli %add3A_114, %mul3A_172 : i32
      %add3A_174 = arith.addi %mul3A_173, %add3A_115 : i32
      %mul3A_175 = arith.constant 32 : i32
      %mul3A_176 = arith.muli %mul3A_175, %add3A_174 : i32
      %dma_wait3A = arith.constant 0 : i32
      %dma_wait3A_177 = arith.constant 0 : i32
      %dma_wait3A_178 = tpu.memref_slice %run_scoped3A_8[%rem3A_171, %dma_wait3A, %dma_wait3A_177] : memref<2x32x1024xf32, #tpu.memory_space<vmem>> -> memref<1x32x1024xf32, #tpu.memory_space<vmem>>
      %dma_wait3A_179 = tpu.memref_squeeze %dma_wait3A_178 : memref<1x32x1024xf32, #tpu.memory_space<vmem>> -> memref<32x1024xf32, #tpu.memory_space<vmem>>
      %dma_wait3A_180 = arith.constant 0 : i32
      %dma_wait3A_181 = tpu.memref_slice %arg3[%mul3A_176, %dma_wait3A_180] : memref<16384x1024xf32, #tpu.memory_space<hbm>> -> memref<32x1024xf32, #tpu.memory_space<hbm>>
      %dma_wait3A_182 = tpu.memref_slice %run_scoped3A_9[%rem3A_171] : memref<2x!tpu.dma_semaphore, #tpu.memory_space<semaphore_mem>> -> memref<1x!tpu.dma_semaphore, #tpu.memory_space<semaphore_mem>>
      %dma_wait3A_183 = tpu.memref_squeeze %dma_wait3A_182 : memref<1x!tpu.dma_semaphore, #tpu.memory_space<semaphore_mem>> -> memref<!tpu.dma_semaphore, #tpu.memory_space<semaphore_mem>>
      %dma_wait3A_184 = arith.constant 0 : i32
      %dma_wait3A_185 = tpu.memref_slice %arg3[%mul3A_176, %dma_wait3A_184] : memref<16384x1024xf32, #tpu.memory_space<hbm>> -> memref<32x1024xf32, #tpu.memory_space<hbm>>
      %dma_wait3A_186 = arith.constant 0 : i32
      %dma_wait3A_187 = arith.constant 0 : i32
      %dma_wait3A_188 = tpu.memref_slice %run_scoped3A_8[%rem3A_171, %dma_wait3A_186, %dma_wait3A_187] : memref<2x32x1024xf32, #tpu.memory_space<vmem>> -> memref<1x32x1024xf32, #tpu.memory_space<vmem>>
      %dma_wait3A_189 = tpu.memref_squeeze %dma_wait3A_188 : memref<1x32x1024xf32, #tpu.memory_space<vmem>> -> memref<32x1024xf32, #tpu.memory_space<vmem>>
      tpu.wait_dma2 semaphore(%dma_wait3A_183 : memref<!tpu.dma_semaphore, #tpu.memory_space<semaphore_mem>>) src(%dma_wait3A_189 : memref<32x1024xf32, #tpu.memory_space<vmem>>) dst(%dma_wait3A_185 : memref<32x1024xf32, #tpu.memory_space<hbm>>)
      "tpu.trace_stop"() : () -> ()
      tpu.yield
    }) : () -> ()
    return
  }
}

</mosaic_0001>

<sc_bundles>
// kernel: kernel.3.cloned.1.call-start
scs
__scs_entry_jumppad:
0x0: {  	(pc) =	sbr.rel $0x88, $3  }
0x1: {  	(tag) =	ssettag $0x0;
	lr =	simm.s32 $0x1  }
0x2: {  	[smem:$0x3FA0] =	sst lr;
	_ =	strace $0xD0000000  }
0x3: {  	_ = 	snop  }
0x4: {  	_ = 	snop  }
0x5: {  	_ = 	snop  }
0x6: {  	_ = 	snop  }
0x7: {  	_ = 	snop  }
__scs_overlays_trampoline_lowered:
0x8: {  	[smem:$0x3FAF] =	sst s0  }
0x9: {  	[smem:$0x3FB0] =	sst s1  }
0xa: {  	[smem:$0x3FB1] =	sst s2  }
0xb: {  	[smem:$0x3FB2] =	sst s3  }
0xc: {  	[smem:$0x3FB3] =	sst s4  }
0xd: {  	[smem:$0x3FB4] =	sst s5  }
0xe: {  	[smem:$0x3FB5] =	sst s6  }
0xf: {  	[smem:$0x3FB6] =	sst s7  }
0x10: {  	[smem:$0x3FB7] =	sst s8  }
0x11: {  	[smem:$0x3FB8] =	sst s9;
	s0 =	simm.s32 @!p0 $0x0  }
0x12: {  	s1 =	sld [smem:$0x3F9E];
	s0 =	simm.s32 @p0 $0x1  }
0x13: {  	[smem:$0x3FB9] =	sst s0;
	s0 =	simm.s32 @!p1 $0x0  }
0x14: {  	s2 =	sld [smem:$0x3F9D];
	s0 =	simm.s32 @p1 $0x1  }
0x15: {  	[smem:$0x3FBA] =	sst s0;
	s0 =	simm.s32 @!p2 $0x0  }
0x16: {  	s3 =	sld [smem:$0x3FDB];
	s0 =	simm.s32 @p2 $0x1  }
0x17: {  	s4 =	simm.s32 $0x1BF5;
	[smem:$0x3FBC] =	sst s0  }
0x18: {  	s0 =	sld [smem:$0x3F9F];
	_ =	swait.ge [sflag:s4], $0x0  }
0x19: {  	s7 =	sld [smem:$0x3FA0]  }
0x1a: {  	s8 =	sadd.s32 $0xFFFFE003, lr  }
0x1b: {  	s9 =	sadd.s32 $0xFFFFFEF7, lr;
	s5 =	simm.s32 $0xFFFFFFFF;
	p2 =	slt.u32 s8, $0xFFFFF086  }
0x1c: {  	p1 =	slt.u32 s9, $0xF7A;
	s5 =	simm.s32 @!p2 $0x0  }
0x1d: {  	s5 =	simm.s32 @p1 $0x1;
	p0 =	seq.s32 s7, s2  }
0x1e: {  	s7 =	smul.u32 @!p0 $0xF7A, s2;
	p2 =	seq.s32 @!p0 s5, $0x0  }
0x1f: {  	s9 =	smul.u32 $0xF7A, s1;
	s8 =	simm.s32 @!p0 $0x1BF5;
	p2 =	por !p2, p0  }
0x20: {  	[sflag:s8] =	ssyncset.s32 @!p0 $0xFFFFF086;
	s6 =	sadd.s32 @!p0 s3, s7;
	s7 =	simm.s32 @!p0 $0x108  }
0x21: {  	s3 =	sadd.s32 s3, s9;
	s6 =	sadd.s32 @!p0 $0x88, s6;
	s7 =	simm.s32 @p2 $0x1082  }
0x22: {  	[simem:s7], [sflag:s8] =	dma.local @!p0 [hbm:s6], $0xF7A  }
0x23: {  	s9 =	sor.u32 $0xD0000000, s2;
	s6 =	simm.s32 $0x108;
	_ =	swait.ge @!p0 [sflag:s8], $0x0  }
0x24: {  	s3 =	sadd.s32 $0x88, s3;
	s6 =	simm.s32 @!p1 $0x1082;
	[sflag:s4] =	ssyncset.s32 $0xFFFFF086  }
0x25: {  	[simem:s6], [sflag:s4] =	dma.local [hbm:s3], $0xF7A  }
0x26: {  	[smem:$0x3FA0] =	sst s1;
	(tag) =	ssettag s2;
	_ =	strace s9  }
0x27: {  	s1 =	sld [smem:$0x3FB0]  }
0x28: {  	s2 =	sld [smem:$0x3FB1]  }
0x29: {  	s4 =	sld [smem:$0x3FB3]  }
0x2a: {  	p0 =	seq.s32 s5, $0x0;
	s5 =	sld [smem:$0x3FB4]  }
0x2b: {  	s6 =	sld [smem:$0x3FB5]  }
0x2c: {  	s7 =	sld [smem:$0x3FB6]  }
0x2d: {  	s3 =	simm.s32 $0x108;
	s8 =	sld [smem:$0x3FB7]  }
0x2e: {  	s3 =	simm.s32 @!p0 $0x1082;
	s9 =	sld [smem:$0x3FB8]  }
0x2f: {  	lr =	sadd.s32 s0, s3;
	s0 =	sld [smem:$0x3FAF]  }
0x30: {  	s3 =	sld [smem:$0x3FB2]  }
0x31: {  	[smem:$0x3FBB] =	sst s10  }
0x32: {  	s10 =	sld [smem:$0x3FB9];
	_ =	sdelay $0x3  }
0x33: {  	p0 =	seq.s32 s10, $0x1;
	s10 =	sld [smem:$0x3FBB];
	_ =	sdelay $0x3  }
0x34: {  	[smem:$0x3FBB] =	sst s10  }
0x35: {  	s10 =	sld [smem:$0x3FBA];
	_ =	sdelay $0x3  }
0x36: {  	p1 =	seq.s32 s10, $0x1;
	s10 =	sld [smem:$0x3FBB];
	_ =	sdelay $0x3  }
0x37: {  	[smem:$0x3FBB] =	sst s10  }
0x38: {  	s10 =	sld [smem:$0x3FBC]  }
0x39: {  	_ = 	snop;
	(pc) =	sbr.ind lr, $3  }
0x3a: {  	_ = 	snop  }
0x3b: {  	_ = 	snop  }
0x3c: {  	p2 =	seq.s32 s10, $0x1;
	s10 =	sld [smem:$0x3FBB]  }
0x3d: {  	_ =	shalt  }
0x3e: {  	_ =	shalt  }
0x3f: {  	_ =	shalt  }
0x40: {  	_ =	shalt  }
0x41: {  	_ =	shalt  }
0x42: {  	_ =	shalt  }
0x43: {  	_ =	shalt  }
0x44: {  	_ =	shalt  }
0x45: {  	_ =	shalt  }
0x46: {  	_ =	shalt  }
0x47: {  	_ =	shalt  }
0x48: {  	_ =	shalt  }
0x49: {  	_ =	shalt  }
0x4a: {  	_ =	shalt  }
0x4b: {  	_ =	shalt  }
0x4c: {  	_ =	shalt  }
0x4d: {  	_ =	shalt  }
0x4e: {  	_ =	shalt  }
0x4f: {  	_ =	shalt  }
0x50: {  	_ =	shalt  }
0x51: {  	_ =	shalt  }
0x52: {  	_ =	shalt  }
0x53: {  	_ =	shalt  }
0x54: {  	_ =	shalt  }
0x55: {  	_ =	shalt  }
0x56: {  	_ =	shalt  }
0x57: {  	_ =	shalt  }
0x58: {  	_ =	shalt  }
0x59: {  	_ =	shalt  }
0x5a: {  	_ =	shalt  }
0x5b: {  	_ =	shalt  }
0x5c: {  	_ =	shalt  }
0x5d: {  	_ =	shalt  }
0x5e: {  	_ =	shalt  }
0x5f: {  	_ =	shalt  }
0x60: {  	_ =	shalt  }
0x61: {  	_ =	shalt  }
0x62: {  	_ =	shalt  }
0x63: {  	_ =	shalt  }
0x64: {  	_ =	shalt  }
0x65: {  	_ =	shalt  }
0x66: {  	_ =	shalt  }
0x67: {  	_ =	shalt  }
0x68: {  	_ =	shalt  }
0x69: {  	_ =	shalt  }
0x6a: {  	_ =	shalt  }
0x6b: {  	_ =	shalt  }
0x6c: {  	_ =	shalt  }
0x6d: {  	_ =	shalt  }
0x6e: {  	_ =	shalt  }
0x6f: {  	_ =	shalt  }
0x70: {  	_ =	shalt  }
0x71: {  	_ =	shalt  }
0x72: {  	_ =	shalt  }
0x73: {  	_ =	shalt  }
0x74: {  	_ =	shalt  }
0x75: {  	_ =	shalt  }
0x76: {  	_ =	shalt  }
0x77: {  	_ =	shalt  }
0x78: {  	_ =	shalt  }
0x79: {  	_ =	shalt  }
0x7a: {  	_ =	shalt  }
0x7b: {  	_ =	shalt  }
0x7c: {  	_ =	shalt  }
0x7d: {  	_ =	shalt  }
0x7e: {  	_ =	shalt  }
0x7f: {  	_ =	shalt  }
0x80: {  	_ =	shalt  }
0x81: {  	_ =	shalt  }
0x82: {  	_ =	shalt  }
0x83: {  	_ =	shalt  }
0x84: {  	_ =	shalt  }
0x85: {  	_ =	shalt  }
0x86: {  	_ =	shalt  }
0x87: {  	_ =	shalt  }
.Lfunc_end0:
.L_simem_size_0:
called_computation_lowered:
.L_overlay_start_0:
0x88: {  	s2 =	sld [smem:$0x3FD9]  }
0x89: {  	s3 =	sld [smem:$0x3FFE];
	_ =	sdelay $0x1  }
0x8a: {  	s1 =	srdreg.scid  }
0x8b: {  	s0 =	sand.u32 $0x1, s1  }
0x8c: {  	s18 =	sshll.u32 s0, $0xA;
	s2 =	sadd.s32 s3, s2  }
0x8d: {  	s2 =	sadd.s32 s2, s18  }
0x8e: {  	[smem:$0x3FC7] =	sst s2  }
0x8f: {  	_ = 	snop  }
0x90: {  	s2 =	sld [smem:$0x3FC9]  }
0x91: {  	s19 =	sld [smem:$0x3FD0];
	(tm) =	ssettm $0x1  }
0x92: {  	s4 =	sld [smem:$0x3FFB];
	_ =	sdelay $0x3  }
0x93: {  	_ =	strace s4  }
0x94: {  	s4 =	sld [smem:$0x3FFC];
	_ =	sdelay $0x3  }
0x95: {  	_ =	strace s4  }
0x96: {  	s4 =	sld [smem:$0x3FFD];
	_ =	sdelay $0x3  }
0x97: {  	_ =	strace s4  }
0x98: {  	_ =	strace $0x8FFFFFFF  }
0x99: {  	s20 =	sld [smem:$0x3FDB];
	_ =	sdelay $0x1  }
0x9a: {  	s5 =	simm.s32 $_scs_section_size  }
0x9b: {  	s6 =	simm.s32 $_size__tile_overlayer_lowered;
	s7 =	simm.s32 $_tile_overlayer_lowered  }
0x9c: {  	s23 =	simm.s32 $0x1BFF;
	s22 =	sshll.u32 s7, $0x1;
	s4 =	sadd.s32 s5, s20  }
0x9d: {  	s8 =	simm.s32 $0x0;
	s21 =	sshll.u32 s6, $0x1;
	s6 =	sadd.s32 s22, s4  }
0x9e: {  	[timem:s8], [sflag:s23] =	dma.local [hbm:s6], s21  }
0x9f: {  	_ =	swait.ge [sflag:s23], s21  }
0xa0: {  	s5 =	ssub.s32 $0x0, s21;
	[sflag:s23] =	ssyncset.done $0x0  }
0xa1: {  	[sflag:s23] =	ssyncadd.s32 s5;
	_ =	sdelay $0x1  }
0xa2: {  	s24 =	simm.s32 $0x1B8B  }
0xa3: {  	_ =	swait.ge [sflag:s24], $0x1  }
0xa4: {  	[sflag:s24] =	ssyncset.done $0x0  }
0xa5: {  	s25 =	simm.s32 $0x1B8E;
	[sflag:s24] =	ssyncadd.s32 $0xFFFFFFFF  }
0xa6: {  	s26 =	simm.s32 $execute0_lowered;
	[smem:$0x3FD2] =	sst s25  }
0xa7: {  	s5 =	sshll.u32 s26, $0x1;
	_ =	strace $0x80000046;
	[dreg:$0x1] =	wrdreg $0xFFFFFFFF  }
0xa8: {  	s28 =	simm.s32 $_size_execute0_lowered;
	s4 =	sadd.s32 s4, s5;
	[dreg:$0x0] =	wrdreg $0x0  }
0xa9: {  	s5 =	sshll.u32 s28, $0x1;
	[dreg:$0x2] =	wrdreg s4  }
0xaa: {  	[dreg:$0x3] =	wrdreg s5  }
0xab: {  	[dreg:$0x4] =	wrdreg $0xC0  }
0xac: {  	_ =	task [dreg:s8], $0x5FFFF  }
0xad: {  	[dreg:$0x1] =	wrdreg $0xFFFFFFFF  }
0xae: {  	[dreg:$0x0] =	wrdreg $0x60  }
0xaf: {  	[dreg:$0x2] =	wrdreg s2  }
0xb0: {  	[dreg:$0x3] =	wrdreg s19  }
0xb1: {  	[dreg:$0x4] =	wrdreg $0x9  }
0xb2: {  	_ =	task.clear_ibuf [dreg:s8], $0x5FFFF;
	_ =	strace $0x90000046  }
0xb3: {  	s29 =	simm.s32 $0x9;
	_ =	strace $0x8000004F  }
0xb4: {  	_ =	swait.ge [sflag:s29], $0x1  }
0xb5: {  	[sflag:s29] =	ssyncadd.s32 $0xFFFFFFFF  }
0xb6: {  	_ =	strace $0x9000004F  }
0xb7: {  	_ =	sfence  }
0xb8: {  	s30 =	sld [smem:$0x0];
	_ =	sdelay $0x2  }
0xb9: {  	s31 =	sshll.u32 s1, $0xD;
	s1 =	sshrl.u32 s1, $0x2  }
0xba: {  	s3 =	sand.u32 $0x4000, s31;
	s1 =	sadd.s32 s1, s30  }
0xbb: {  	s0 =	sor.u32 s3, s0;
	s1 =	sshll.u32 s1, $0x11  }
0xbc: {  	s0 =	sor.u32 s1, s0  }
0xbd: {  	s0 =	sadd.s32 $0x8F2B, s0  }
0xbe: {  	[sflag:s0] =	ssyncadd.remote.s32 $0x1  }
0xbf: {  	_ =	sfence.sel $0xFFFF  }
0xc0: {  	[dreg:$0x0] =	wrdreg $0xFFFFFFFF;
	(pc) =	sbr.abs _section_cstart, $3  }
0xc1: {  	[dreg:$0x1] =	wrdreg $0xFFFFFFFF  }
0xc2: {  	_ =	task.clear_ibuf [dreg:s8], $0x2FFFF;
	_ =	strace $0x9FFFFFFF  }
0xc3: {  	(tm) =	ssettm $0x7FFFFFFF  }
tec
execute0_lowered:
.L_overlay_start_1:
0x0: {  	(tag) =	ssettag $0x1  }
0x1: {  	s2 =	rddreg [dreg:$0x0];
	s0 =	srdreg.scid  }
0x2: {  	s3 =	rddreg [dreg:$0x1];
	s1 =	stileid.u32;
	s5 =	sand.u32 $0x1, s0  }
0x3: {  	s4 =	simm.s32 $0x0;
	s7 =	sshll.u32 s1, $0x1;
	s6 =	sshll.u32 s5, $0x5  }
0x4: {  	s0 =	rddreg [dreg:$0x2];
	s8 =	ssub.s32 $0x2, s5;
	s5 =	sor.u32 s7, s6  }
0x5: {  	[smem:$0x7FF] =	sst s4;
	s30 =	sshrl.u32 s8, $0x1;
	s7 =	sshll.u32 s5, $0xC  }
0x6: {  	_ =	strace $0x80000047;
	s8 =	ssub.s32 s8, s30;
	s31 =	sadd.s32 s7, s2  }
0x7: {  	s7 =	smax.u32 s8, $0x1;
	s8 =	simm.s32 $0x0;
	s6 =	sadd.s32 $0x1C0000, s31  }
.LBB2_1:
0x8: {  	_ =	strace $0x80000048;
	s9 =	simm.s32 $0x0;
	s11 =	simm.s32 $0x0  }
0x9: {  	s10 =	simm.s32 $0x0;
	s12 =	simm.s32 $0x0;
	s13 =	simm.s32 $0x0  }
0xa: {  	[tilespmem:s4], [sflag:$0x1] =	stream.linear.gather [hbm4b:s6+s4], $0x8000, $0x200038;
	v63 =	vld [tilespmem:$0x0]  }
0xb: {  	s14 =	simm.s32 $0x1;
	s15 =	simm.s32 $0x0;
	_ =	strace $0x90000048  }
.LBB2_2:
0xc: {  	s16 =	sadd.s32 s5, s9  }
0xd: {  	s21 =	sadd.s32 $0xFFFFFFFF, s9;
	p2 =	seq.s32 s9, $0x0;
	s9 =	sadd.s32 $0x1, s9  }
0xe: {  	s17 =	simm.s32 $0x1;
	p0 =	seq.s32 s9, $0x2  }
0xf: {  	s17 =	simm.s32 @!p0 $0x0  }
0x10: {  	s20 =	smov.u32 s11;
	s11 =	sadd.s32 s17, s11  }
0x11: {  	p1 =	seq.s32 s11, $0x8  }
0x12: {  	s9 =	simm.s32 @p0 $0x0;
	s11 =	simm.s32 @p1 $0x0  }
0x13: {  	s18 =	sshll.u32 s20, $0x6;
	s17 =	sadd.s32 s5, s9;
	s19 =	sshll.u32 s11, $0x6  }
0x14: {  	s22 =	ssub.s32 s16, s18;
	s23 =	ssub.s32 s17, s19  }
0x15: {  	p6 =	sne.s32 s15, $0xF;
	s24 =	simm.s32 $0x1;
	p0 =	sne.s32 s22, s23  }
0x16: {  	s24 =	simm.s32 @!p2 $0x0;
	s21 =	simm.s32 @p2 $0x1;
	p1 =	por !p6, !p0  }
0x17: {  	s20 =	ssub.s32 s20, s24;
	s21 =	sadd.s32 s5, s21;
	p1 =	por !p1, !p1  }
0x18: {  	p2 =	seq.s32 s20, $0xFFFFFFFF;
	s20 =	sshll.u32 s20, $0x6;
	s23 =	sshll.u32 @p1 s23, $0xF  }
0x19: {  	s20 =	simm.s32 @p2 $0x1C0;
	s24 =	sand.u32 @p1 $0x1, s14;
	s23 =	sadd.s32 @p1 $0xE00000, s23  }
0x1a: {  	_ =	strace @p1 $0x80000049;
	s26 =	simm.s32 @p1 $0x0;
	s23 =	sshrl.u32 @p1 s23, $0x3  }
0x1b: {  	s25 =	sshll.u32 @p1 s24, $0xF;
	s24 =	sadd.s32 @p1 $0x1, s24;
	s23 =	sadd.s32 @p1 s2, s23  }
0x1c: {  	[tilespmem:s25], [sflag:s24] =	stream.linear.gather @p1 [hbm4b:s23+s26], $0x8000, $0x200038;
	v63 =	vld [tilespmem:$0x0]  }
0x1d: {  	p2 =	seq.s32 s15, $0x0;
	s23 =	ssub.s32 s21, s20  }
0x1e: {  	p3 =	seq.s32 @!p2 s22, s23  }
0x1f: {  	p2 =	por p2, !p3  }
0x20: {  	_ =	strace @p1 $0x90000049;
	s22 =	sand.u32 @p2 $0x1, s13  }
0x21: {  	_ =	strace @p2 $0x8000004A;
	s22 =	sadd.s32 @p2 $0x1, s22  }
0x22: {  	_ =	swait.ge @p2 [sflag:s22], $0x8000  }
0x23: {  	[sflag:s22] =	ssyncset.done @p2 $0x0  }
0x24: {  	[sflag:s22] =	ssyncadd.s32 @p2 $0xFFFF8000;
	s22 =	simm.s32 $0x1  }
0x25: {  	s22 =	simm.s32 @!p1 $0x0  }
0x26: {  	s29 =	sshll.u32 s13, $0xF;
	s14 =	sadd.s32 s22, s14;
	s22 =	sand.u32 $0x1, s12  }
0x27: {  	s28 =	simm.s32 $0x0;
	s31 =	sand.u32 $0x8000, s29;
	s30 =	sshll.u32 s22, $0xF  }
0x28: {  	v0 =	vmov s31;
	s24 =	simm.s32 $0x0;
	_ =	strace @p2 $0x9000004A;
	s23 =	sor.u32 $0x10000, s30  }
0x29: {  	s25 =	simm.s32 $0xFFFF8000;
	s26 =	simm.s32 $0x0;
	_ =	strace $0x8000004B;
	v1 =	vmov s23  }
.LBB2_3:
0x2a: {  	s29 =	sadd.s32 $0x8000, s25  }
0x2b: {  	s30 =	sand.u32 $0x380, s28;
	s29 =	sand.u32 $0x6000, s29  }
0x2c: {  	s29 =	sor.u32 s30, s29  }
0x2d: {  	v2 =	vld.idx.msk [tilespmem:v0+s29+$0x0 ss:$0x1], $0xffff;
	_ =	sdelay $0x4  }
0x2e: {  	s30 =	sor.u32 $0x10, s29;
	[tilespmem:v1+s29+$0x0 ss:$0x1] =	vst.idx.msk $0xffff, v2  }
0x2f: {  	v2 =	vld.idx.msk [tilespmem:v0+s30+$0x0 ss:$0x1], $0xffff;
	_ =	sdelay $0x4  }
0x30: {  	s31 =	sor.u32 $0x20, s29;
	[tilespmem:v1+s30+$0x0 ss:$0x1] =	vst.idx.msk $0xffff, v2  }
0x31: {  	v2 =	vld.idx.msk [tilespmem:v0+s31+$0x0 ss:$0x1], $0xffff;
	_ =	sdelay $0x4  }
0x32: {  	[tilespmem:v1+s31+$0x0 ss:$0x1] =	vst.idx.msk $0xffff, v2;
	s31 =	sor.u32 $0x30, s29  }
0x33: {  	v2 =	vld.idx.msk [tilespmem:v0+s31+$0x0 ss:$0x1], $0xffff;
	_ =	sdelay $0x4  }
0x34: {  	[tilespmem:v1+s31+$0x0 ss:$0x1] =	vst.idx.msk $0xffff, v2;
	s31 =	sor.u32 $0x40, s29  }
0x35: {  	v2 =	vld.idx.msk [tilespmem:v0+s31+$0x0 ss:$0x1], $0xffff;
	_ =	sdelay $0x4  }
0x36: {  	[tilespmem:v1+s31+$0x0 ss:$0x1] =	vst.idx.msk $0xffff, v2;
	s31 =	sor.u32 $0x50, s29  }
0x37: {  	v2 =	vld.idx.msk [tilespmem:v0+s31+$0x0 ss:$0x1], $0xffff;
	_ =	sdelay $0x4  }
0x38: {  	[tilespmem:v1+s31+$0x0 ss:$0x1] =	vst.idx.msk $0xffff, v2;
	s31 =	sor.u32 $0x60, s29  }
0x39: {  	v2 =	vld.idx.msk [tilespmem:v0+s31+$0x0 ss:$0x1], $0xffff;
	_ =	sdelay $0x4  }
0x3a: {  	[tilespmem:v1+s31+$0x0 ss:$0x1] =	vst.idx.msk $0xffff, v2;
	s31 =	sor.u32 $0x70, s29  }
0x3b: {  	v2 =	vld.idx.msk [tilespmem:v0+s31+$0x0 ss:$0x1], $0xffff;
	_ =	sdelay $0x4  }
0x3c: {  	[tilespmem:v1+s31+$0x0 ss:$0x1] =	vst.idx.msk $0xffff, v2;
	s31 =	sor.u32 $0x400, s29  }
0x3d: {  	v2 =	vld.idx.msk [tilespmem:v0+s31+$0x0 ss:$0x1], $0xffff;
	_ =	sdelay $0x4  }
0x3e: {  	[tilespmem:v1+s31+$0x0 ss:$0x1] =	vst.idx.msk $0xffff, v2;
	s31 =	sor.u32 $0x410, s29  }
0x3f: {  	v2 =	vld.idx.msk [tilespmem:v0+s31+$0x0 ss:$0x1], $0xffff;
	_ =	sdelay $0x4  }
0x40: {  	[tilespmem:v1+s31+$0x0 ss:$0x1] =	vst.idx.msk $0xffff, v2;
	s31 =	sor.u32 $0x420, s29  }
0x41: {  	v2 =	vld.idx.msk [tilespmem:v0+s31+$0x0 ss:$0x1], $0xffff;
	_ =	sdelay $0x4  }
0x42: {  	[tilespmem:v1+s31+$0x0 ss:$0x1] =	vst.idx.msk $0xffff, v2;
	s31 =	sor.u32 $0x430, s29  }
0x43: {  	v2 =	vld.idx.msk [tilespmem:v0+s31+$0x0 ss:$0x1], $0xffff;
	_ =	sdelay $0x4  }
0x44: {  	[tilespmem:v1+s31+$0x0 ss:$0x1] =	vst.idx.msk $0xffff, v2;
	s31 =	sor.u32 $0x440, s29  }
0x45: {  	v2 =	vld.idx.msk [tilespmem:v0+s31+$0x0 ss:$0x1], $0xffff;
	_ =	sdelay $0x4  }
0x46: {  	[tilespmem:v1+s31+$0x0 ss:$0x1] =	vst.idx.msk $0xffff, v2;
	s31 =	sor.u32 $0x450, s29  }
0x47: {  	v2 =	vld.idx.msk [tilespmem:v0+s31+$0x0 ss:$0x1], $0xffff;
	_ =	sdelay $0x4  }
0x48: {  	[tilespmem:v1+s31+$0x0 ss:$0x1] =	vst.idx.msk $0xffff, v2;
	s31 =	sor.u32 $0x460, s29  }
0x49: {  	v2 =	vld.idx.msk [tilespmem:v0+s31+$0x0 ss:$0x1], $0xffff;
	_ =	sdelay $0x4  }
0x4a: {  	[tilespmem:v1+s31+$0x0 ss:$0x1] =	vst.idx.msk $0xffff, v2;
	s31 =	sor.u32 $0x470, s29  }
0x4b: {  	v2 =	vld.idx.msk [tilespmem:v0+s31+$0x0 ss:$0x1], $0xffff;
	_ =	sdelay $0x4  }
0x4c: {  	[tilespmem:v1+s31+$0x0 ss:$0x1] =	vst.idx.msk $0xffff, v2;
	s31 =	sor.u32 $0x800, s29  }
0x4d: {  	v2 =	vld.idx.msk [tilespmem:v0+s31+$0x0 ss:$0x1], $0xffff;
	_ =	sdelay $0x4  }
0x4e: {  	[tilespmem:v1+s31+$0x0 ss:$0x1] =	vst.idx.msk $0xffff, v2;
	s31 =	sor.u32 $0x810, s29  }
0x4f: {  	v2 =	vld.idx.msk [tilespmem:v0+s31+$0x0 ss:$0x1], $0xffff;
	_ =	sdelay $0x4  }
0x50: {  	[tilespmem:v1+s31+$0x0 ss:$0x1] =	vst.idx.msk $0xffff, v2;
	s31 =	sor.u32 $0x820, s29  }
0x51: {  	v2 =	vld.idx.msk [tilespmem:v0+s31+$0x0 ss:$0x1], $0xffff;
	_ =	sdelay $0x4  }
0x52: {  	[tilespmem:v1+s31+$0x0 ss:$0x1] =	vst.idx.msk $0xffff, v2;
	s31 =	sor.u32 $0x830, s29  }
0x53: {  	v2 =	vld.idx.msk [tilespmem:v0+s31+$0x0 ss:$0x1], $0xffff;
	_ =	sdelay $0x4  }
0x54: {  	[tilespmem:v1+s31+$0x0 ss:$0x1] =	vst.idx.msk $0xffff, v2;
	s31 =	sor.u32 $0x840, s29  }
0x55: {  	v2 =	vld.idx.msk [tilespmem:v0+s31+$0x0 ss:$0x1], $0xffff;
	_ =	sdelay $0x4  }
0x56: {  	[tilespmem:v1+s31+$0x0 ss:$0x1] =	vst.idx.msk $0xffff, v2;
	s31 =	sor.u32 $0x850, s29  }
0x57: {  	v2 =	vld.idx.msk [tilespmem:v0+s31+$0x0 ss:$0x1], $0xffff;
	_ =	sdelay $0x4  }
0x58: {  	[tilespmem:v1+s31+$0x0 ss:$0x1] =	vst.idx.msk $0xffff, v2;
	s31 =	sor.u32 $0x860, s29  }
0x59: {  	v2 =	vld.idx.msk [tilespmem:v0+s31+$0x0 ss:$0x1], $0xffff;
	_ =	sdelay $0x4  }
0x5a: {  	[tilespmem:v1+s31+$0x0 ss:$0x1] =	vst.idx.msk $0xffff, v2;
	s31 =	sor.u32 $0x870, s29  }
0x5b: {  	v2 =	vld.idx.msk [tilespmem:v0+s31+$0x0 ss:$0x1], $0xffff;
	_ =	sdelay $0x4  }
0x5c: {  	[tilespmem:v1+s31+$0x0 ss:$0x1] =	vst.idx.msk $0xffff, v2;
	s31 =	sor.u32 $0xC00, s29  }
0x5d: {  	v2 =	vld.idx.msk [tilespmem:v0+s31+$0x0 ss:$0x1], $0xffff;
	_ =	sdelay $0x4  }
0x5e: {  	[tilespmem:v1+s31+$0x0 ss:$0x1] =	vst.idx.msk $0xffff, v2;
	s31 =	sor.u32 $0xC10, s29  }
0x5f: {  	v2 =	vld.idx.msk [tilespmem:v0+s31+$0x0 ss:$0x1], $0xffff;
	_ =	sdelay $0x4  }
0x60: {  	[tilespmem:v1+s31+$0x0 ss:$0x1] =	vst.idx.msk $0xffff, v2;
	s31 =	sor.u32 $0xC20, s29  }
0x61: {  	v2 =	vld.idx.msk [tilespmem:v0+s31+$0x0 ss:$0x1], $0xffff;
	_ =	sdelay $0x4  }
0x62: {  	[tilespmem:v1+s31+$0x0 ss:$0x1] =	vst.idx.msk $0xffff, v2;
	s31 =	sor.u32 $0xC30, s29  }
0x63: {  	v2 =	vld.idx.msk [tilespmem:v0+s31+$0x0 ss:$0x1], $0xffff;
	_ =	sdelay $0x4  }
0x64: {  	[tilespmem:v1+s31+$0x0 ss:$0x1] =	vst.idx.msk $0xffff, v2;
	s31 =	sor.u32 $0xC40, s29  }
0x65: {  	v2 =	vld.idx.msk [tilespmem:v0+s31+$0x0 ss:$0x1], $0xffff;
	_ =	sdelay $0x4  }
0x66: {  	[tilespmem:v1+s31+$0x0 ss:$0x1] =	vst.idx.msk $0xffff, v2;
	s31 =	sor.u32 $0xC50, s29  }
0x67: {  	v2 =	vld.idx.msk [tilespmem:v0+s31+$0x0 ss:$0x1], $0xffff;
	_ =	sdelay $0x4  }
0x68: {  	[tilespmem:v1+s31+$0x0 ss:$0x1] =	vst.idx.msk $0xffff, v2;
	s31 =	sor.u32 $0xC60, s29  }
0x69: {  	v2 =	vld.idx.msk [tilespmem:v0+s31+$0x0 ss:$0x1], $0xffff;
	_ =	sdelay $0x4  }
0x6a: {  	[tilespmem:v1+s31+$0x0 ss:$0x1] =	vst.idx.msk $0xffff, v2;
	s31 =	sor.u32 $0xC70, s29  }
0x6b: {  	v2 =	vld.idx.msk [tilespmem:v0+s31+$0x0 ss:$0x1], $0xffff;
	_ =	sdelay $0x4  }
0x6c: {  	[tilespmem:v1+s31+$0x0 ss:$0x1] =	vst.idx.msk $0xffff, v2;
	s31 =	sor.u32 $0x1000, s29  }
0x6d: {  	v2 =	vld.idx.msk [tilespmem:v0+s31+$0x0 ss:$0x1], $0xffff;
	_ =	sdelay $0x4  }
0x6e: {  	[tilespmem:v1+s31+$0x0 ss:$0x1] =	vst.idx.msk $0xffff, v2;
	s31 =	sor.u32 $0x1010, s29  }
0x6f: {  	v2 =	vld.idx.msk [tilespmem:v0+s31+$0x0 ss:$0x1], $0xffff;
	_ =	sdelay $0x4  }
0x70: {  	[tilespmem:v1+s31+$0x0 ss:$0x1] =	vst.idx.msk $0xffff, v2;
	s31 =	sor.u32 $0x1020, s29  }
0x71: {  	v2 =	vld.idx.msk [tilespmem:v0+s31+$0x0 ss:$0x1], $0xffff;
	_ =	sdelay $0x4  }
0x72: {  	[tilespmem:v1+s31+$0x0 ss:$0x1] =	vst.idx.msk $0xffff, v2;
	s31 =	sor.u32 $0x1030, s29  }
0x73: {  	v2 =	vld.idx.msk [tilespmem:v0+s31+$0x0 ss:$0x1], $0xffff;
	_ =	sdelay $0x4  }
0x74: {  	[tilespmem:v1+s31+$0x0 ss:$0x1] =	vst.idx.msk $0xffff, v2;
	s31 =	sor.u32 $0x1040, s29  }
0x75: {  	v2 =	vld.idx.msk [tilespmem:v0+s31+$0x0 ss:$0x1], $0xffff;
	_ =	sdelay $0x4  }
0x76: {  	[tilespmem:v1+s31+$0x0 ss:$0x1] =	vst.idx.msk $0xffff, v2;
	s31 =	sor.u32 $0x1050, s29  }
0x77: {  	v2 =	vld.idx.msk [tilespmem:v0+s31+$0x0 ss:$0x1], $0xffff;
	_ =	sdelay $0x4  }
0x78: {  	[tilespmem:v1+s31+$0x0 ss:$0x1] =	vst.idx.msk $0xffff, v2;
	s31 =	sor.u32 $0x1060, s29  }
0x79: {  	v2 =	vld.idx.msk [tilespmem:v0+s31+$0x0 ss:$0x1], $0xffff;
	_ =	sdelay $0x4  }
0x7a: {  	[tilespmem:v1+s31+$0x0 ss:$0x1] =	vst.idx.msk $0xffff, v2;
	s31 =	sor.u32 $0x1070, s29  }
0x7b: {  	v2 =	vld.idx.msk [tilespmem:v0+s31+$0x0 ss:$0x1], $0xffff;
	_ =	sdelay $0x4  }
0x7c: {  	[tilespmem:v1+s31+$0x0 ss:$0x1] =	vst.idx.msk $0xffff, v2;
	s31 =	sor.u32 $0x1400, s29  }
0x7d: {  	v2 =	vld.idx.msk [tilespmem:v0+s31+$0x0 ss:$0x1], $0xffff;
	_ =	sdelay $0x4  }
0x7e: {  	[tilespmem:v1+s31+$0x0 ss:$0x1] =	vst.idx.msk $0xffff, v2;
	s31 =	sor.u32 $0x1410, s29  }
0x7f: {  	v2 =	vld.idx.msk [tilespmem:v0+s31+$0x0 ss:$0x1], $0xffff;
	_ =	sdelay $0x4  }
0x80: {  	[tilespmem:v1+s31+$0x0 ss:$0x1] =	vst.idx.msk $0xffff, v2;
	s31 =	sor.u32 $0x1420, s29  }
0x81: {  	v2 =	vld.idx.msk [tilespmem:v0+s31+$0x0 ss:$0x1], $0xffff;
	_ =	sdelay $0x4  }
0x82: {  	[tilespmem:v1+s31+$0x0 ss:$0x1] =	vst.idx.msk $0xffff, v2;
	s31 =	sor.u32 $0x1430, s29  }
0x83: {  	v2 =	vld.idx.msk [tilespmem:v0+s31+$0x0 ss:$0x1], $0xffff;
	_ =	sdelay $0x4  }
0x84: {  	[tilespmem:v1+s31+$0x0 ss:$0x1] =	vst.idx.msk $0xffff, v2;
	s31 =	sor.u32 $0x1440, s29  }
0x85: {  	v2 =	vld.idx.msk [tilespmem:v0+s31+$0x0 ss:$0x1], $0xffff;
	_ =	sdelay $0x4  }
0x86: {  	[tilespmem:v1+s31+$0x0 ss:$0x1] =	vst.idx.msk $0xffff, v2;
	s31 =	sor.u32 $0x1450, s29  }
0x87: {  	v2 =	vld.idx.msk [tilespmem:v0+s31+$0x0 ss:$0x1], $0xffff;
	_ =	sdelay $0x4  }
0x88: {  	[tilespmem:v1+s31+$0x0 ss:$0x1] =	vst.idx.msk $0xffff, v2;
	s31 =	sor.u32 $0x1460, s29  }
0x89: {  	v2 =	vld.idx.msk [tilespmem:v0+s31+$0x0 ss:$0x1], $0xffff;
	_ =	sdelay $0x4  }
0x8a: {  	[tilespmem:v1+s31+$0x0 ss:$0x1] =	vst.idx.msk $0xffff, v2;
	s31 =	sor.u32 $0x1470, s29  }
0x8b: {  	v2 =	vld.idx.msk [tilespmem:v0+s31+$0x0 ss:$0x1], $0xffff;
	_ =	sdelay $0x4  }
0x8c: {  	[tilespmem:v1+s31+$0x0 ss:$0x1] =	vst.idx.msk $0xffff, v2;
	s31 =	sor.u32 $0x1800, s29  }
0x8d: {  	v2 =	vld.idx.msk [tilespmem:v0+s31+$0x0 ss:$0x1], $0xffff;
	_ =	sdelay $0x4  }
0x8e: {  	[tilespmem:v1+s31+$0x0 ss:$0x1] =	vst.idx.msk $0xffff, v2;
	s31 =	sor.u32 $0x1810, s29  }
0x8f: {  	v2 =	vld.idx.msk [tilespmem:v0+s31+$0x0 ss:$0x1], $0xffff;
	_ =	sdelay $0x4  }
0x90: {  	[tilespmem:v1+s31+$0x0 ss:$0x1] =	vst.idx.msk $0xffff, v2;
	s31 =	sor.u32 $0x1820, s29  }
0x91: {  	v2 =	vld.idx.msk [tilespmem:v0+s31+$0x0 ss:$0x1], $0xffff;
	_ =	sdelay $0x4  }
0x92: {  	[tilespmem:v1+s31+$0x0 ss:$0x1] =	vst.idx.msk $0xffff, v2;
	s31 =	sor.u32 $0x1830, s29  }
0x93: {  	v2 =	vld.idx.msk [tilespmem:v0+s31+$0x0 ss:$0x1], $0xffff;
	_ =	sdelay $0x4  }
0x94: {  	[tilespmem:v1+s31+$0x0 ss:$0x1] =	vst.idx.msk $0xffff, v2;
	s31 =	sor.u32 $0x1840, s29  }
0x95: {  	v2 =	vld.idx.msk [tilespmem:v0+s31+$0x0 ss:$0x1], $0xffff;
	_ =	sdelay $0x4  }
0x96: {  	[tilespmem:v1+s31+$0x0 ss:$0x1] =	vst.idx.msk $0xffff, v2;
	s31 =	sor.u32 $0x1850, s29  }
0x97: {  	v2 =	vld.idx.msk [tilespmem:v0+s31+$0x0 ss:$0x1], $0xffff;
	_ =	sdelay $0x4  }
0x98: {  	[tilespmem:v1+s31+$0x0 ss:$0x1] =	vst.idx.msk $0xffff, v2;
	s31 =	sor.u32 $0x1860, s29  }
0x99: {  	v2 =	vld.idx.msk [tilespmem:v0+s31+$0x0 ss:$0x1], $0xffff;
	_ =	sdelay $0x4  }
0x9a: {  	s29 =	sor.u32 $0x1870, s29;
	[tilespmem:v1+s31+$0x0 ss:$0x1] =	vst.idx.msk $0xffff, v2  }
0x9b: {  	v2 =	vld.idx.msk [tilespmem:v0+s29+$0x0 ss:$0x1], $0xffff;
	_ =	sdelay $0x1  }
0x9c: {  	s31 =	sand.u32 $0x7, s24  }
0x9d: {  	s30 =	sshll.u32 s31, $0x7  }
0x9e: {  	s30 =	sadd.s32 s30, s26  }
0x9f: {  	s31 =	sor.u32 $0x1C00, s30;
	[tilespmem:v1+s29+$0x0 ss:$0x1] =	vst.idx.msk $0xffff, v2  }
0xa0: {  	v2 =	vld.idx.msk [tilespmem:v0+s31+$0x0 ss:$0x1], $0xffff;
	_ =	sdelay $0x4  }
0xa1: {  	[tilespmem:v1+s31+$0x0 ss:$0x1] =	vst.idx.msk $0xffff, v2;
	s31 =	sor.u32 $0x1C10, s30  }
0xa2: {  	v2 =	vld.idx.msk [tilespmem:v0+s31+$0x0 ss:$0x1], $0xffff;
	_ =	sdelay $0x4  }
0xa3: {  	[tilespmem:v1+s31+$0x0 ss:$0x1] =	vst.idx.msk $0xffff, v2;
	s31 =	sor.u32 $0x1C20, s30  }
0xa4: {  	v2 =	vld.idx.msk [tilespmem:v0+s31+$0x0 ss:$0x1], $0xffff;
	_ =	sdelay $0x4  }
0xa5: {  	[tilespmem:v1+s31+$0x0 ss:$0x1] =	vst.idx.msk $0xffff, v2;
	s31 =	sor.u32 $0x1C30, s30  }
0xa6: {  	v2 =	vld.idx.msk [tilespmem:v0+s31+$0x0 ss:$0x1], $0xffff;
	_ =	sdelay $0x4  }
0xa7: {  	[tilespmem:v1+s31+$0x0 ss:$0x1] =	vst.idx.msk $0xffff, v2;
	s31 =	sor.u32 $0x1C40, s30  }
0xa8: {  	v2 =	vld.idx.msk [tilespmem:v0+s31+$0x0 ss:$0x1], $0xffff;
	_ =	sdelay $0x4  }
0xa9: {  	[tilespmem:v1+s31+$0x0 ss:$0x1] =	vst.idx.msk $0xffff, v2;
	s31 =	sor.u32 $0x1C50, s30  }
0xaa: {  	v2 =	vld.idx.msk [tilespmem:v0+s31+$0x0 ss:$0x1], $0xffff;
	_ =	sdelay $0x4  }
0xab: {  	[tilespmem:v1+s31+$0x0 ss:$0x1] =	vst.idx.msk $0xffff, v2;
	s31 =	sor.u32 $0x1C60, s30  }
0xac: {  	v2 =	vld.idx.msk [tilespmem:v0+s31+$0x0 ss:$0x1], $0xffff;
	_ =	sdelay $0x4  }
0xad: {  	[tilespmem:v1+s31+$0x0 ss:$0x1] =	vst.idx.msk $0xffff, v2;
	s31 =	sor.u32 $0x1C70, s30  }
0xae: {  	p1 =	sne.s32 s28, $0xF80;
	v2 =	vld.idx.msk [tilespmem:v0+s31+$0x0 ss:$0x1], $0xffff  }
.Ltmp0:
0xaf: {  	_ = 	snop;
	(pc) =	sbr.rel @p1 .LBB2_3-.Ltmp0, $3  }
0xb0: {  	_ =	sdelay $0x1  }
0xb1: {  	s25 =	sadd.s32 $0x400, s25  }
0xb2: {  	s28 =	sadd.s32 $0x80, s28;
	s24 =	sadd.s32 $0x1, s24;
	s26 =	sadd.s32 $0x400, s26;
	[tilespmem:v1+s31+$0x0 ss:$0x1] =	vst.idx.msk $0xffff, v2  }
0xb3: {  	s16 =	sadd.s32 s18, s16;
	s17 =	sadd.s32 s17, s19  }
0xb4: {  	p1 =	seq.s32 s15, $0xF;
	_ =	strace $0x9000004B;
	p2 =	sne.s32 s16, s17  }
0xb5: {  	s31 =	sadd.s32 s21, s20;
	p4 =	sne.s32 s15, $0x0;
	p2 =	por p1, p2  }
0xb6: {  	s15 =	sadd.s32 $0x1, s15;
	p3 =	sne.s32 s16, s31;
	s18 =	sshll.u32 @p2 s16, $0xC  }
0xb7: {  	p3 =	por !p4, !p3;
	_ =	strace @p2 $0x8000004C;
	s16 =	sand.u32 @p2 $0x1FFFF000, s18  }
0xb8: {  	s17 =	sadd.s32 @p2 $0x3, s22;
	s18 =	simm.s32 @p2 $0x0;
	s16 =	sadd.s32 @p2 s3, s16  }
0xb9: {  	[hbm4b:s16+s18] =	stream.linear.scatter @p2 [tilespmem:s23], [sflag:s17], $0x8000, $0x200038;
	v63 =	vld [tilespmem:$0x0]  }
0xba: {  	p0 =	por p1, p0;
	p3 =	por !p3, !p3;
	s17 =	simm.s32 $0x1  }
0xbb: {  	s16 =	sand.u32 @p3 $0x1, s10;
	_ =	strace @p2 $0x9000004C;
	s17 =	simm.s32 @!p2 $0x0  }
0xbc: {  	s16 =	sadd.s32 @p3 $0x3, s16;
	s12 =	sadd.s32 s17, s12;
	s17 =	simm.s32 $0x1  }
0xbd: {  	_ =	strace @p3 $0x8000004D;
	s17 =	simm.s32 @!p0 $0x0;
	p0 =	sne.s32 s15, $0x10  }
.Ltmp1:
0xbe: {  	_ =	swait.ge @p3 [sflag:s16], $0x8000;
	(pc) =	sbr.rel @p0 .LBB2_2-.Ltmp1, $4  }
0xbf: {  	[sflag:s16] =	ssyncset.done @p3 $0x0  }
0xc0: {  	[sflag:s16] =	ssyncadd.s32 @p3 $0xFFFF8000;
	s16 =	simm.s32 $0x1  }
0xc1: {  	s16 =	simm.s32 @!p3 $0x0  }
0xc2: {  	s13 =	sadd.s32 s17, s13;
	_ =	strace @p3 $0x9000004D;
	s10 =	sadd.s32 s16, s10  }
0xc3: {  	s8 =	sadd.s32 $0x1, s8  }
0xc4: {  	s9 =	sand.u32 $0x1, s10;
	p0 =	sne.s32 s8, s7  }
.Ltmp2:
0xc5: {  	_ =	strace $0x8000004E;
	s9 =	sadd.s32 $0x3, s9;
	(pc) =	sbr.rel @p0 .LBB2_1-.Ltmp2, $4  }
0xc6: {  	_ =	swait.ge [sflag:s9], $0x8000  }
0xc7: {  	[sflag:s9] =	ssyncset.done $0x0  }
0xc8: {  	[sflag:s9] =	ssyncadd.s32 $0xFFFF8000  }
0xc9: {  	_ =	strace $0x9000004E  }
0xca: {  	_ =	sfence.sel $0x180000  }
0xcb: {  	[bflag:$0x0] =	sbarrier.arrive $0xFFFF  }
0xcc: {  	p0 =	sne.s32 s1, $0x0;
	_ =	strace $0x90000047  }
0xcd: {  	s0 =	sadd.s32 @!p0 $0x100000, s0;
	[bflag:$0x2] =	sbarrier.arrive $0xFFFF  }
0xce: {  	[sflag:s0] =	ssyncadd.tile.s32 @!p0 $0x1;
	_ =	shalt  }
.Lfunc_end2:
_tile_overlayer_lowered:
.L_overlay_start_2:
0xcf: {  	(tag) =	ssettag $0x2  }
0xd0: {  	s0 =	rddreg [dreg:$0x0];
	s2 =	stileid.u32  }
0xd1: {  	s1 =	rddreg [dreg:$0x1];
	p0 =	sne.s32 s2, $0x0  }
0xd2: {  	s3 =	rddreg [dreg:$0x2];
	[bflag:$0x3] =	sbarrier.arrive $0xFFFF;
	s2 =	simm.s32 @!p0 $0x1C01  }
0xd3: {  	[timem:s3], [sflag:s2] =	dma.local @!p0 [hbm:s0], s1  }
0xd4: {  	s0 =	simm.s32 @!p0 $0x1  }
0xd5: {  	_ =	swait.ge @!p0 [sflag:s0], s1  }
0xd6: {  	s1 =	ssub.s32 @!p0 $0x0, s1;
	[sflag:s0] =	ssyncset.done @!p0 $0x0  }
0xd7: {  	[sflag:s0] =	ssyncadd.s32 @!p0 s1  }
0xd8: {  	[bflag:$0x3] =	sbarrier.arrive $0xFFFF  }
0xd9: {  	_ =	shalt  }

</sc_bundles>
